<compile_context>
chip_gen: v7x
topology: tpu7x:2x2x1
jax: 0.10.2.dev20260603
libtpu: 0.0.44.dev20260713+nightly
codegen_flags: <defaults>
</compile_context>

<pallas_src>
import functools

import jax
import jax.numpy as jnp
from jax import lax
from jax.experimental import pallas as pl
from jax.experimental.pallas import tpu as pltpu
from jax.experimental.pallas import tpu_sc as plsc

N = 10000
D = 128
E = 320000
G = 16
CARD = 128
EPS = 1e-5

NC, NS = 2, 16
NW = NC * NS
CH = 128
NCH = 80
EPW = CH * NCH
EPAD = EPW * NW
RPT = 632
NPAD = RPT * NS
HNCH = NCH // 2

R = 1000
NBLK = N // R

@functools.cache
def _mesh():
    return plsc.VectorSubcoreMesh(core_axis_name="c", subcore_axis_name="s",
                                  num_cores=NC, num_subcores=NS)


def _sc_deg_body(dst_hbm, ones_hbm, zero_hbm, out_hbm, dst_v, ones_v, deg_sh,
                 sem_a):
    c = lax.axis_index("c")
    s = lax.axis_index("s")
    wid = c * NS + s

    @pl.when(s == 0)
    def _():
        pltpu.sync_copy(zero_hbm, deg_sh)

    pltpu.sync_copy(ones_hbm, ones_v)
    pltpu.sync_copy(dst_hbm.at[wid], dst_v)
    plsc.subcore_barrier()

    def _chunk(g, _):
        for k in range(4):
            pltpu.async_copy(ones_v, deg_sh.at[dst_v.at[4 * g + k]], sem_a,
                             add=True)
        for k in range(4):
            pltpu.make_async_copy(ones_v, deg_sh.at[dst_v.at[4 * g + k]],
                                  sem_a).wait()
        return 0

    lax.fori_loop(0, NCH // 4, _chunk, 0)
    plsc.subcore_barrier()

    @pl.when(s == 0)
    def _():
        pltpu.sync_copy(deg_sh, out_hbm.at[c])


@functools.cache
def _sc_deg_kernel():
    return pl.kernel(
        _sc_deg_body,
        out_type=jax.ShapeDtypeStruct((NC, NPAD, D), jnp.float32),
        mesh=_mesh(),
        scratch_types=[
            pltpu.VMEM((NCH, CH), jnp.int32),
            pltpu.VMEM((CH, D), jnp.float32),
            pltpu.VMEM_SHARED((NPAD, D), jnp.float32),
            pltpu.SemaphoreType.DMA,
        ],
    )


def _sc_deg(dst3):
    ones_d = jnp.ones((CH, D), jnp.float32)
    zero_d = jnp.zeros((NPAD, D), jnp.float32)
    return _sc_deg_kernel()(dst3, ones_d, zero_d)


def _sc_scat_body(y_hbm, src_hbm, dst_hbm, zero_hbm, out_hbm,
                  rows_a, rows_b, src_v, dst_v, z_sh, sem_a, sem_b):
    c = lax.axis_index("c")
    s = lax.axis_index("s")
    wid = c * NS + s

    @pl.when(s == 0)
    def _():
        pltpu.sync_copy(zero_hbm, z_sh)

    plsc.subcore_barrier()

    for h in range(2):
        pltpu.sync_copy(src_hbm.at[wid, pl.ds(h * HNCH, HNCH)], src_v)
        pltpu.sync_copy(dst_hbm.at[wid, pl.ds(h * HNCH, HNCH)], dst_v)
        pltpu.async_copy(y_hbm.at[src_v.at[0]], rows_a, sem_a)

        def _step(j, _):
            pltpu.make_async_copy(y_hbm.at[src_v.at[2 * j]], rows_a,
                                  sem_a).wait()
            pltpu.async_copy(y_hbm.at[src_v.at[2 * j + 1]], rows_b, sem_b)
            pltpu.sync_copy(rows_a, z_sh.at[dst_v.at[2 * j]], add=True)
            pltpu.make_async_copy(y_hbm.at[src_v.at[2 * j + 1]], rows_b,
                                  sem_b).wait()

            @pl.when(j < HNCH // 2 - 1)
            def _():
                pltpu.async_copy(y_hbm.at[src_v.at[2 * j + 2]], rows_a, sem_a)

            pltpu.sync_copy(rows_b, z_sh.at[dst_v.at[2 * j + 1]], add=True)
            return 0

        lax.fori_loop(0, HNCH // 2, _step, 0)
    plsc.subcore_barrier()

    @pl.when(s == 0)
    def _():
        pltpu.sync_copy(z_sh, out_hbm.at[c])


@functools.cache
def _sc_scatter_kernel():
    return pl.kernel(
        _sc_scat_body,
        out_type=jax.ShapeDtypeStruct((NC, NPAD, D), jnp.float32),
        mesh=_mesh(),
        scratch_types=[
            pltpu.VMEM((CH, D), jnp.float32),
            pltpu.VMEM((CH, D), jnp.float32),
            pltpu.VMEM((HNCH, CH), jnp.int32),
            pltpu.VMEM((HNCH, CH), jnp.int32),
            pltpu.VMEM_SHARED((NPAD, D), jnp.float32),
            pltpu.SemaphoreType.DMA,
            pltpu.SemaphoreType.DMA,
        ],
    )


def _sc_scatter(y, src3, dst3):
    zero_d = jnp.zeros((NPAD, D), jnp.float32)
    return _sc_scatter_kernel()(y, src3, dst3, zero_d)


def _tc_a_body(x_ref, emb_ref, w0_ref, degp_ref, y0_ref, dinv_ref):
    xb = x_ref[...]
    oh = (xb == lax.broadcasted_iota(jnp.int32, (R, CARD), 1))
    h0 = jnp.dot(oh.astype(jnp.float32), emb_ref[...],
                 preferred_element_type=jnp.float32)
    xw = jnp.dot(h0, w0_ref[...], preferred_element_type=jnp.float32)
    deg = degp_ref[0, :, 0:1] + degp_ref[1, :, 0:1] + 1.0
    dinv = lax.rsqrt(deg)
    dinv_ref[...] = dinv
    y0_ref[...] = xw * dinv


def _tc_a(x, emb, w0, degp):
    return pl.pallas_call(
        _tc_a_body,
        grid=(NBLK,),
        in_specs=[
            pl.BlockSpec((R, 1), lambda i: (i, 0)),
            pl.BlockSpec((CARD, D), lambda i: (0, 0)),
            pl.BlockSpec((D, D), lambda i: (0, 0)),
            pl.BlockSpec((2, R, D), lambda i: (0, i, 0)),
        ],
        out_specs=[
            pl.BlockSpec((R, D), lambda i: (i, 0)),
            pl.BlockSpec((R, 1), lambda i: (i, 0)),
        ],
        out_shape=[
            jax.ShapeDtypeStruct((N, D), jnp.float32),
            jax.ShapeDtypeStruct((N, 1), jnp.float32),
        ],
    )(x, emb, w0, degp)


def _tc_s_body(zp_ref, y_ref, dinv_ref, b_ref, agg_ref, st_ref):
    agg = (zp_ref[0] + zp_ref[1] + y_ref[...]) * dinv_ref[...] + b_ref[...]
    agg_ref[...] = agg

    @pl.when(pl.program_id(0) == 0)
    def _():
        st_ref[...] = jnp.zeros_like(st_ref)

    st_ref[0:1, :] += jnp.sum(agg, axis=0, keepdims=True)
    st_ref[1:2, :] += jnp.sum(agg * agg, axis=0, keepdims=True)


def _tc_stats(zp, y, dinv, b):
    return pl.pallas_call(
        _tc_s_body,
        grid=(NBLK,),
        in_specs=[
            pl.BlockSpec((2, R, D), lambda i: (0, i, 0)),
            pl.BlockSpec((R, D), lambda i: (i, 0)),
            pl.BlockSpec((R, 1), lambda i: (i, 0)),
            pl.BlockSpec((1, D), lambda i: (0, 0)),
        ],
        out_specs=[
            pl.BlockSpec((R, D), lambda i: (i, 0)),
            pl.BlockSpec((8, D), lambda i: (0, 0)),
        ],
        out_shape=[
            jax.ShapeDtypeStruct((N, D), jnp.float32),
            jax.ShapeDtypeStruct((8, D), jnp.float32),
        ],
    )(zp, y, dinv, b)


def _tc_m_body(agg_ref, st_ref, g_ref, be_ref, dinv_ref, w_ref, y1_ref):
    m = st_ref[0:1, :] * (1.0 / N)
    v = st_ref[1:2, :] * (1.0 / N) - m * m
    rstd = lax.rsqrt(v + EPS)
    h = jnp.maximum((agg_ref[...] - m) * rstd * g_ref[...] + be_ref[...], 0.0)
    y1_ref[...] = jnp.dot(h, w_ref[...],
                          preferred_element_type=jnp.float32) * dinv_ref[...]


def _tc_mid(agg, st, g, be, dinv, w1):
    return pl.pallas_call(
        _tc_m_body,
        grid=(NBLK,),
        in_specs=[
            pl.BlockSpec((R, D), lambda i: (i, 0)),
            pl.BlockSpec((8, D), lambda i: (0, 0)),
            pl.BlockSpec((1, D), lambda i: (0, 0)),
            pl.BlockSpec((1, D), lambda i: (0, 0)),
            pl.BlockSpec((R, 1), lambda i: (i, 0)),
            pl.BlockSpec((D, D), lambda i: (0, 0)),
        ],
        out_specs=pl.BlockSpec((R, D), lambda i: (i, 0)),
        out_shape=jax.ShapeDtypeStruct((N, D), jnp.float32),
    )(agg, st, g, be, dinv, w1)


def _tc_f_body(agg_ref, st_ref, g_ref, be_ref, batch_ref,
               nn_ref, gr_ref, cnt_scr):
    i = pl.program_id(0)
    m = st_ref[0:1, :] * (1.0 / N)
    v = st_ref[1:2, :] * (1.0 / N) - m * m
    h = (agg_ref[...] - m) * lax.rsqrt(v + EPS) * g_ref[...] + be_ref[...]
    nrm = jnp.sqrt(jnp.sum(h * h, axis=1, keepdims=True))
    nn_ref[...] = h / jnp.maximum(nrm, 1e-12)
    oh = (batch_ref[...] == lax.broadcasted_iota(jnp.int32, (R, G), 1))
    ohf = oh.astype(jnp.float32)
    part = lax.dot_general(ohf, h, (((0,), (0,)), ((), ())),
                           preferred_element_type=jnp.float32)
    pc = lax.dot_general(ohf, jnp.ones((R, D), jnp.float32),
                         (((0,), (0,)), ((), ())),
                         preferred_element_type=jnp.float32)

    @pl.when(i == 0)
    def _():
        gr_ref[...] = jnp.zeros_like(gr_ref)
        cnt_scr[...] = jnp.zeros_like(cnt_scr)

    gr_ref[...] += part
    cnt_scr[...] += pc

    @pl.when(i == NBLK - 1)
    def _():
        gr_ref[...] = gr_ref[...] / jnp.maximum(cnt_scr[...], 1.0)


def _tc_final(agg, st, g, be, batch2):
    return pl.pallas_call(
        _tc_f_body,
        grid=(NBLK,),
        in_specs=[
            pl.BlockSpec((R, D), lambda i: (i, 0)),
            pl.BlockSpec((8, D), lambda i: (0, 0)),
            pl.BlockSpec((1, D), lambda i: (0, 0)),
            pl.BlockSpec((1, D), lambda i: (0, 0)),
            pl.BlockSpec((R, 1), lambda i: (i, 0)),
        ],
        out_specs=[
            pl.BlockSpec((R, D), lambda i: (i, 0)),
            pl.BlockSpec((G, D), lambda i: (0, 0)),
        ],
        out_shape=[
            jax.ShapeDtypeStruct((N, D), jnp.float32),
            jax.ShapeDtypeStruct((G, D), jnp.float32),
        ],
        scratch_shapes=[pltpu.VMEM((G, D), jnp.float32)],
    )(agg, st, g, be, batch2)


def kernel(x, edge_index, batch, emb_table, W0, b0, g0, be0, W1, b1, g1, be1):
    src = edge_index[0]
    dst = edge_index[1]
    ppw = EPW - E // NW
    pidx = jnp.arange(NW * ppw, dtype=dst.dtype).reshape(NW, ppw)
    pad_src = pidx % N
    pad_dst = N + pidx % (NPAD - N)
    src3 = jnp.concatenate([src.reshape(NW, E // NW), pad_src],
                           axis=1).reshape(NW, NCH, CH)
    dst3 = jnp.concatenate([dst.reshape(NW, E // NW), pad_dst],
                           axis=1).reshape(NW, NCH, CH)

    degp = _sc_deg(dst3)
    y0, dinv = _tc_a(x, emb_table, W0, degp)
    z0 = _sc_scatter(y0, src3, dst3)
    agg0, st0 = _tc_stats(z0, y0, dinv, b0.reshape(1, D))
    y1 = _tc_mid(agg0, st0, g0.reshape(1, D), be0.reshape(1, D), dinv, W1)
    z1 = _sc_scatter(y1, src3, dst3)
    agg1, st1 = _tc_stats(z1, y1, dinv, b1.reshape(1, D))
    node_norm, graph_rep = _tc_final(agg1, st1, g1.reshape(1, D),
                                     be1.reshape(1, D), batch.reshape(N, 1))
    return graph_rep, node_norm

# --- scband reference (transcript-rebuilt; emitter-appended) ---
"""Pipeline reference for scband-c-ignr-20993800143099 (READ-ONLY COPY).

The authoritative reference and input builder live on the scoring server;
editing this copy changes nothing except your own understanding.
"""

import jax, jax.numpy as jnp
import numpy as np

N_NODES = 10000
N_EDGES = 320000
D = 128
N_GRAPHS = 16
INPUT_CARD = 128
EPS_BN = 1e-5


def setup_inputs(seed: int = 0) -> dict:
    key = jax.random.key(seed)
    ks = jax.random.split(key, 16)
    x = jax.random.randint(ks[0], (N_NODES, 1), 0, INPUT_CARD)
    edge_index = jax.random.randint(ks[1], (2, N_EDGES), 0, N_NODES)
    batch = jnp.sort(jax.random.randint(ks[2], (N_NODES,), 0, N_GRAPHS))
    # learned parameters
    emb_table = jax.random.normal(ks[3], (INPUT_CARD, D), dtype=jnp.float32) * 0.05
    W0 = jax.random.normal(ks[4], (D, D), dtype=jnp.float32) * (1.0 / np.sqrt(D))
    b0 = jnp.zeros((D,), dtype=jnp.float32)
    g0 = jnp.ones((D,), dtype=jnp.float32)
    be0 = jnp.zeros((D,), dtype=jnp.float32)
    W1 = jax.random.normal(ks[5], (D, D), dtype=jnp.float32) * (1.0 / np.sqrt(D))
    b1 = jnp.zeros((D,), dtype=jnp.float32)
    g1 = jnp.ones((D,), dtype=jnp.float32)
    be1 = jnp.zeros((D,), dtype=jnp.float32)
    return {"x": x, "edge_index": edge_index, "batch": batch,
            "emb_table": emb_table,
            "W0": W0, "b0": b0, "g0": g0, "be0": be0,
            "W1": W1, "b1": b1, "g1": g1, "be1": be1}


def _gcn_conv(h, src, dst, W, b):
    # PyG GCNConv: linear transform, add self-loops, symmetric normalization, scatter-add, bias
    xw = h @ W
    loop = jnp.arange(N_NODES, dtype=src.dtype)
    s = jnp.concatenate([src, loop])
    d = jnp.concatenate([dst, loop])
    deg = jax.ops.segment_sum(jnp.ones_like(s, dtype=xw.dtype), d, num_segments=N_NODES)
    dinv = jnp.where(deg > 0, 1.0 / jnp.sqrt(deg), 0.0)
    norm = dinv[s] * dinv[d]
    msgs = norm[:, None] * xw[s]
    agg = jax.ops.segment_sum(msgs, d, num_segments=N_NODES)
    return agg + b


def _batch_norm(h, g, be):
    # BatchNorm1d in training mode (biased variance)
    m = jnp.mean(h, axis=0)
    v = jnp.var(h, axis=0)
    return (h - m) / jnp.sqrt(v + EPS_BN) * g + be


def reference(x, edge_index, batch, emb_table, W0, b0, g0, be0, W1, b1, g1, be1):
    # encode() path of cIGNR with gnn_type='gcn', JK='last', global_pool='mean', drop_ratio=0
    src = edge_index[0]
    dst = edge_index[1]
    h0 = emb_table[x[:, 0]]
    h1 = _batch_norm(_gcn_conv(h0, src, dst, W0, b0), g0, be0)
    h1 = jax.nn.relu(h1)  # not last layer -> relu
    h2 = _batch_norm(_gcn_conv(h1, src, dst, W1, b1), g1, be1)  # last layer: no relu
    node_representation = h2
    # global_mean_pool over batch segment ids
    sums = jax.ops.segment_sum(node_representation, batch, num_segments=N_GRAPHS)
    cnt = jax.ops.segment_sum(jnp.ones((N_NODES,), dtype=node_representation.dtype), batch, num_segments=N_GRAPHS)
    graph_rep = sums / jnp.maximum(cnt, 1.0)[:, None]
    # F.normalize(node_representation, p=2, dim=1)
    nrm = jnp.linalg.norm(node_representation, axis=1, keepdims=True)
    node_norm = node_representation / jnp.maximum(nrm, 1e-12)
    return (graph_rep, node_norm)

if __name__ == "__main__":
    import jax
    _d = setup_inputs()
    print(jax.jit(kernel)(*tuple(_d.values())))

</pallas_src>

<mosaic_0001>
#map = affine_map<(d0, d1) -> (0, 0)>
#map1 = affine_map<(d0, d1) -> (0, 0, 0)>
module attributes {stable_mosaic.version = 14 : i64} {
  func.func @_sc_scat_body(%arg0: i32, %arg1: i32, %arg2: memref<10000x128xf32, #tpu.memory_space<hbm>>, %arg3: memref<32x80x128xi32, #tpu.memory_space<hbm>>, %arg4: memref<32x80x128xi32, #tpu.memory_space<hbm>>, %arg5: memref<10112x128xf32, #tpu.memory_space<hbm>>, %arg6: memref<2x10112x128xf32, #tpu.memory_space<hbm>>, %arg7: memref<128x128xf32, #tpu.memory_space<vmem>>, %arg8: memref<128x128xf32, #tpu.memory_space<vmem>>, %arg9: memref<40x128xi32, #tpu.memory_space<vmem>>, %arg10: memref<40x128xi32, #tpu.memory_space<vmem>>, %arg11: memref<10112x128xf32, #tpu.memory_space<vmem_shared>>, %arg12: memref<!tpu.dma_semaphore, #tpu.memory_space<semaphore_mem>>, %arg13: memref<!tpu.dma_semaphore, #tpu.memory_space<semaphore_mem>>) attributes {dimension_semantics = [#tpu.dimension_semantics<core_parallel>, #tpu.dimension_semantics<subcore_parallel>], iteration_bounds = array<i64: 2, 16>, scalar_prefetch = 0 : i64, scratch_operands = 7 : i64, tpu.core_type = #tpu.core_type<sc_vector_subcore>, window_params = [{transform_indices = #map}, {transform_indices = #map1}, {transform_indices = #map1}, {transform_indices = #map}, {transform_indices = #map1}]} {
    %mul3A = arith.constant 16 : i32
    %mul3A_0 = arith.muli %arg0, %mul3A : i32
    %add3A = arith.addi %mul3A_0, %arg1 : i32
    %eq3A = arith.constant 0 : i32
    %eq3A_1 = arith.cmpi eq, %arg1, %eq3A : i32
    %convert_element_type3A = arith.extui %eq3A_1 : i1 to i32
    %cond3A = arith.constant 0 : i32
    %cond3A_2 = arith.cmpi ne, %convert_element_type3A, %cond3A : i32
    scf.if %cond3A_2 {
      "tpu.region"() ({
        %run_scoped3A = tpu.sem_alloc : memref<!tpu.dma_semaphore, #tpu.memory_space<semaphore_mem>>
        tpu.enqueue_dma source(%arg5 : memref<10112x128xf32, #tpu.memory_space<hbm>>) target(%arg11 : memref<10112x128xf32, #tpu.memory_space<vmem_shared>>) target_semaphore(%run_scoped3A : memref<!tpu.dma_semaphore, #tpu.memory_space<semaphore_mem>>)
        tpu.wait_dma2 semaphore(%run_scoped3A : memref<!tpu.dma_semaphore, #tpu.memory_space<semaphore_mem>>) src(%arg5 : memref<10112x128xf32, #tpu.memory_space<hbm>>) dst(%arg11 : memref<10112x128xf32, #tpu.memory_space<vmem_shared>>)
        tpu.yield
      }) : () -> ()
    } else {
    }
    %barrier3A = arith.constant 0 : index
    tpu.barrier barrier_id(%barrier3A)
    "tpu.region"() ({
      %run_scoped3A = tpu.sem_alloc : memref<!tpu.dma_semaphore, #tpu.memory_space<semaphore_mem>>
      %dma_start3A_35 = arith.constant 0 : i32
      %dma_start3A_36 = arith.constant 0 : i32
      %dma_start3A_37 = tpu.memref_slice %arg3[%add3A, %dma_start3A_35, %dma_start3A_36] : memref<32x80x128xi32, #tpu.memory_space<hbm>> -> memref<1x40x128xi32, #tpu.memory_space<hbm>>
      %dma_start3A_38 = tpu.memref_squeeze %dma_start3A_37 : memref<1x40x128xi32, #tpu.memory_space<hbm>> -> memref<40x128xi32, #tpu.memory_space<hbm>>
      %dma_start3A_39 = arith.constant 0 : i32
      %dma_start3A_40 = arith.constant 0 : i32
      %dma_start3A_41 = tpu.memref_slice %arg3[%add3A, %dma_start3A_39, %dma_start3A_40] : memref<32x80x128xi32, #tpu.memory_space<hbm>> -> memref<1x40x128xi32, #tpu.memory_space<hbm>>
      %dma_start3A_42 = tpu.memref_squeeze %dma_start3A_41 : memref<1x40x128xi32, #tpu.memory_space<hbm>> -> memref<40x128xi32, #tpu.memory_space<hbm>>
      tpu.enqueue_dma source(%dma_start3A_42 : memref<40x128xi32, #tpu.memory_space<hbm>>) target(%arg9 : memref<40x128xi32, #tpu.memory_space<vmem>>) target_semaphore(%run_scoped3A : memref<!tpu.dma_semaphore, #tpu.memory_space<semaphore_mem>>)
      %dma_wait3A = arith.constant 0 : i32
      %dma_wait3A_43 = arith.constant 0 : i32
      %dma_wait3A_44 = tpu.memref_slice %arg3[%add3A, %dma_wait3A, %dma_wait3A_43] : memref<32x80x128xi32, #tpu.memory_space<hbm>> -> memref<1x40x128xi32, #tpu.memory_space<hbm>>
      %dma_wait3A_45 = tpu.memref_squeeze %dma_wait3A_44 : memref<1x40x128xi32, #tpu.memory_space<hbm>> -> memref<40x128xi32, #tpu.memory_space<hbm>>
      %dma_wait3A_46 = arith.constant 0 : i32
      %dma_wait3A_47 = arith.constant 0 : i32
      %dma_wait3A_48 = tpu.memref_slice %arg3[%add3A, %dma_wait3A_46, %dma_wait3A_47] : memref<32x80x128xi32, #tpu.memory_space<hbm>> -> memref<1x40x128xi32, #tpu.memory_space<hbm>>
      %dma_wait3A_49 = tpu.memref_squeeze %dma_wait3A_48 : memref<1x40x128xi32, #tpu.memory_space<hbm>> -> memref<40x128xi32, #tpu.memory_space<hbm>>
      tpu.wait_dma2 semaphore(%run_scoped3A : memref<!tpu.dma_semaphore, #tpu.memory_space<semaphore_mem>>) src(%dma_wait3A_49 : memref<40x128xi32, #tpu.memory_space<hbm>>) dst(%arg9 : memref<40x128xi32, #tpu.memory_space<vmem>>)
      tpu.yield
    }) : () -> ()
    "tpu.region"() ({
      %run_scoped3A = tpu.sem_alloc : memref<!tpu.dma_semaphore, #tpu.memory_space<semaphore_mem>>
      %dma_start3A_35 = arith.constant 0 : i32
      %dma_start3A_36 = arith.constant 0 : i32
      %dma_start3A_37 = tpu.memref_slice %arg4[%add3A, %dma_start3A_35, %dma_start3A_36] : memref<32x80x128xi32, #tpu.memory_space<hbm>> -> memref<1x40x128xi32, #tpu.memory_space<hbm>>
      %dma_start3A_38 = tpu.memref_squeeze %dma_start3A_37 : memref<1x40x128xi32, #tpu.memory_space<hbm>> -> memref<40x128xi32, #tpu.memory_space<hbm>>
      %dma_start3A_39 = arith.constant 0 : i32
      %dma_start3A_40 = arith.constant 0 : i32
      %dma_start3A_41 = tpu.memref_slice %arg4[%add3A, %dma_start3A_39, %dma_start3A_40] : memref<32x80x128xi32, #tpu.memory_space<hbm>> -> memref<1x40x128xi32, #tpu.memory_space<hbm>>
      %dma_start3A_42 = tpu.memref_squeeze %dma_start3A_41 : memref<1x40x128xi32, #tpu.memory_space<hbm>> -> memref<40x128xi32, #tpu.memory_space<hbm>>
      tpu.enqueue_dma source(%dma_start3A_42 : memref<40x128xi32, #tpu.memory_space<hbm>>) target(%arg10 : memref<40x128xi32, #tpu.memory_space<vmem>>) target_semaphore(%run_scoped3A : memref<!tpu.dma_semaphore, #tpu.memory_space<semaphore_mem>>)
      %dma_wait3A = arith.constant 0 : i32
      %dma_wait3A_43 = arith.constant 0 : i32
      %dma_wait3A_44 = tpu.memref_slice %arg4[%add3A, %dma_wait3A, %dma_wait3A_43] : memref<32x80x128xi32, #tpu.memory_space<hbm>> -> memref<1x40x128xi32, #tpu.memory_space<hbm>>
      %dma_wait3A_45 = tpu.memref_squeeze %dma_wait3A_44 : memref<1x40x128xi32, #tpu.memory_space<hbm>> -> memref<40x128xi32, #tpu.memory_space<hbm>>
      %dma_wait3A_46 = arith.constant 0 : i32
      %dma_wait3A_47 = arith.constant 0 : i32
      %dma_wait3A_48 = tpu.memref_slice %arg4[%add3A, %dma_wait3A_46, %dma_wait3A_47] : memref<32x80x128xi32, #tpu.memory_space<hbm>> -> memref<1x40x128xi32, #tpu.memory_space<hbm>>
      %dma_wait3A_49 = tpu.memref_squeeze %dma_wait3A_48 : memref<1x40x128xi32, #tpu.memory_space<hbm>> -> memref<40x128xi32, #tpu.memory_space<hbm>>
      tpu.wait_dma2 semaphore(%run_scoped3A : memref<!tpu.dma_semaphore, #tpu.memory_space<semaphore_mem>>) src(%dma_wait3A_49 : memref<40x128xi32, #tpu.memory_space<hbm>>) dst(%arg10 : memref<40x128xi32, #tpu.memory_space<vmem>>)
      tpu.yield
    }) : () -> ()
    %dma_start3A = arith.constant 0 : i32
    %dma_start3A_3 = arith.constant 0 : i32
    %dma_start3A_4 = tpu.memref_slice %arg9[%dma_start3A, %dma_start3A_3] : memref<40x128xi32, #tpu.memory_space<vmem>> -> memref<1x128xi32, #tpu.memory_space<vmem>>
    %dma_start3A_5 = tpu.memref_squeeze %dma_start3A_4 : memref<1x128xi32, #tpu.memory_space<vmem>> -> memref<128xi32, #tpu.memory_space<vmem>>
    %dma_start3A_6 = arith.constant 0 : i32
    %dma_start3A_7 = arith.constant 0 : i32
    %dma_start3A_8 = tpu.memref_slice %arg2[%dma_start3A_6, %dma_start3A_7] : memref<10000x128xf32, #tpu.memory_space<hbm>> -> memref<10000x128xf32, #tpu.memory_space<hbm>>
    tpu.enqueue_indirect_dma source(%dma_start3A_8 : memref<10000x128xf32, #tpu.memory_space<hbm>>) target(%arg7 : memref<128x128xf32, #tpu.memory_space<vmem>>) offsets(%dma_start3A_5 : memref<128xi32, #tpu.memory_space<vmem>>) semaphore(%arg12 : memref<!tpu.dma_semaphore, #tpu.memory_space<semaphore_mem>>)
    %scan3A = arith.constant 0 : i32
    %scan3A_9 = arith.constant 0 : i32
    %scan3A_10 = arith.constant 20 : i32
    %scan3A_11 = arith.addi %scan3A_9, %scan3A_10 : i32
    %scan3A_12 = arith.constant 1 : i32
    %scan3A_13 = scf.for %scan3A_35 = %scan3A_9 to %scan3A_11 step %scan3A_12 iter_args(%scan3A_36 = %scan3A) -> (i32)  : i32 {
      %mul3A_37 = arith.constant 2 : i32
      %mul3A_38 = arith.muli %mul3A_37, %scan3A_35 : i32
      %dma_wait3A = arith.constant 0 : i32
      %dma_wait3A_39 = tpu.memref_slice %arg9[%mul3A_38, %dma_wait3A] : memref<40x128xi32, #tpu.memory_space<vmem>> -> memref<1x128xi32, #tpu.memory_space<vmem>>
      %dma_wait3A_40 = tpu.memref_squeeze %dma_wait3A_39 : memref<1x128xi32, #tpu.memory_space<vmem>> -> memref<128xi32, #tpu.memory_space<vmem>>
      %dma_wait3A_41 = arith.constant 0 : i32
      %dma_wait3A_42 = arith.constant 0 : i32
      %dma_wait3A_43 = tpu.memref_slice %arg2[%dma_wait3A_41, %dma_wait3A_42] : memref<10000x128xf32, #tpu.memory_space<hbm>> -> memref<10000x128xf32, #tpu.memory_space<hbm>>
      tpu.wait_indirect_dma semaphore(%arg12 : memref<!tpu.dma_semaphore, #tpu.memory_space<semaphore_mem>>) src(%dma_wait3A_43 : memref<10000x128xf32, #tpu.memory_space<hbm>>) dst(%arg7 : memref<128x128xf32, #tpu.memory_space<vmem>>)
      %mul3A_44 = arith.constant 2 : i32
      %mul3A_45 = arith.muli %mul3A_44, %scan3A_35 : i32
      %add3A_46 = arith.constant 1 : i32
      %add3A_47 = arith.addi %mul3A_45, %add3A_46 : i32
      %dma_start3A_48 = arith.constant 0 : i32
      %dma_start3A_49 = tpu.memref_slice %arg9[%add3A_47, %dma_start3A_48] : memref<40x128xi32, #tpu.memory_space<vmem>> -> memref<1x128xi32, #tpu.memory_space<vmem>>
      %dma_start3A_50 = tpu.memref_squeeze %dma_start3A_49 : memref<1x128xi32, #tpu.memory_space<vmem>> -> memref<128xi32, #tpu.memory_space<vmem>>
      %dma_start3A_51 = arith.constant 0 : i32
      %dma_start3A_52 = arith.constant 0 : i32
      %dma_start3A_53 = tpu.memref_slice %arg2[%dma_start3A_51, %dma_start3A_52] : memref<10000x128xf32, #tpu.memory_space<hbm>> -> memref<10000x128xf32, #tpu.memory_space<hbm>>
      tpu.enqueue_indirect_dma source(%dma_start3A_53 : memref<10000x128xf32, #tpu.memory_space<hbm>>) target(%arg8 : memref<128x128xf32, #tpu.memory_space<vmem>>) offsets(%dma_start3A_50 : memref<128xi32, #tpu.memory_space<vmem>>) semaphore(%arg13 : memref<!tpu.dma_semaphore, #tpu.memory_space<semaphore_mem>>)
      %mul3A_54 = arith.constant 2 : i32
      %mul3A_55 = arith.muli %mul3A_54, %scan3A_35 : i32
      "tpu.region"() ({
        %run_scoped3A = tpu.sem_alloc : memref<!tpu.dma_semaphore, #tpu.memory_space<semaphore_mem>>
        %dma_start3A_75 = arith.constant 0 : i32
        %dma_start3A_76 = tpu.memref_slice %arg10[%mul3A_55, %dma_start3A_75] : memref<40x128xi32, #tpu.memory_space<vmem>> -> memref<1x128xi32, #tpu.memory_space<vmem>>
        %dma_start3A_77 = tpu.memref_squeeze %dma_start3A_76 : memref<1x128xi32, #tpu.memory_space<vmem>> -> memref<128xi32, #tpu.memory_space<vmem>>
        %dma_start3A_78 = arith.constant 0 : i32
        %dma_start3A_79 = arith.constant 0 : i32
        %dma_start3A_80 = tpu.memref_slice %arg11[%dma_start3A_78, %dma_start3A_79] : memref<10112x128xf32, #tpu.memory_space<vmem_shared>> -> memref<10112x128xf32, #tpu.memory_space<vmem_shared>>
        tpu.enqueue_indirect_dma source(%arg7 : memref<128x128xf32, #tpu.memory_space<vmem>>) target(%dma_start3A_80 : memref<10112x128xf32, #tpu.memory_space<vmem_shared>>) offsets(%dma_start3A_77 : memref<128xi32, #tpu.memory_space<vmem>>) semaphore(%run_scoped3A : memref<!tpu.dma_semaphore, #tpu.memory_space<semaphore_mem>>) {add = true}
        %dma_wait3A_81 = arith.constant 0 : i32
        %dma_wait3A_82 = tpu.memref_slice %arg10[%mul3A_55, %dma_wait3A_81] : memref<40x128xi32, #tpu.memory_space<vmem>> -> memref<1x128xi32, #tpu.memory_space<vmem>>
        %dma_wait3A_83 = tpu.memref_squeeze %dma_wait3A_82 : memref<1x128xi32, #tpu.memory_space<vmem>> -> memref<128xi32, #tpu.memory_space<vmem>>
        %dma_wait3A_84 = arith.constant 0 : i32
        %dma_wait3A_85 = arith.constant 0 : i32
        %dma_wait3A_86 = tpu.memref_slice %arg11[%dma_wait3A_84, %dma_wait3A_85] : memref<10112x128xf32, #tpu.memory_space<vmem_shared>> -> memref<10112x128xf32, #tpu.memory_space<vmem_shared>>
        tpu.wait_indirect_dma semaphore(%run_scoped3A : memref<!tpu.dma_semaphore, #tpu.memory_space<semaphore_mem>>) src(%arg7 : memref<128x128xf32, #tpu.memory_space<vmem>>) dst(%dma_wait3A_86 : memref<10112x128xf32, #tpu.memory_space<vmem_shared>>)
        tpu.yield
      }) : () -> ()
      %mul3A_56 = arith.constant 2 : i32
      %mul3A_57 = arith.muli %mul3A_56, %scan3A_35 : i32
      %add3A_58 = arith.constant 1 : i32
      %add3A_59 = arith.addi %mul3A_57, %add3A_58 : i32
      %dma_wait3A_60 = arith.constant 0 : i32
      %dma_wait3A_61 = tpu.memref_slice %arg9[%add3A_59, %dma_wait3A_60] : memref<40x128xi32, #tpu.memory_space<vmem>> -> memref<1x128xi32, #tpu.memory_space<vmem>>
      %dma_wait3A_62 = tpu.memref_squeeze %dma_wait3A_61 : memref<1x128xi32, #tpu.memory_space<vmem>> -> memref<128xi32, #tpu.memory_space<vmem>>
      %dma_wait3A_63 = arith.constant 0 : i32
      %dma_wait3A_64 = arith.constant 0 : i32
      %dma_wait3A_65 = tpu.memref_slice %arg2[%dma_wait3A_63, %dma_wait3A_64] : memref<10000x128xf32, #tpu.memory_space<hbm>> -> memref<10000x128xf32, #tpu.memory_space<hbm>>
      tpu.wait_indirect_dma semaphore(%arg13 : memref<!tpu.dma_semaphore, #tpu.memory_space<semaphore_mem>>) src(%dma_wait3A_65 : memref<10000x128xf32, #tpu.memory_space<hbm>>) dst(%arg8 : memref<128x128xf32, #tpu.memory_space<vmem>>)
      %lt3A = arith.constant 19 : i32
      %lt3A_66 = arith.cmpi slt, %scan3A_35, %lt3A : i32
      %convert_element_type3A_67 = arith.extui %lt3A_66 : i1 to i32
      %cond3A_68 = arith.constant 0 : i32
      %cond3A_69 = arith.cmpi ne, %convert_element_type3A_67, %cond3A_68 : i32
      scf.if %cond3A_69 {
        %mul3A_75 = arith.constant 2 : i32
        %mul3A_76 = arith.muli %mul3A_75, %scan3A_35 : i32
        %add3A_77 = arith.constant 2 : i32
        %add3A_78 = arith.addi %mul3A_76, %add3A_77 : i32
        %dma_start3A_79 = arith.constant 0 : i32
        %dma_start3A_80 = tpu.memref_slice %arg9[%add3A_78, %dma_start3A_79] : memref<40x128xi32, #tpu.memory_space<vmem>> -> memref<1x128xi32, #tpu.memory_space<vmem>>
        %dma_start3A_81 = tpu.memref_squeeze %dma_start3A_80 : memref<1x128xi32, #tpu.memory_space<vmem>> -> memref<128xi32, #tpu.memory_space<vmem>>
        %dma_start3A_82 = arith.constant 0 : i32
        %dma_start3A_83 = arith.constant 0 : i32
        %dma_start3A_84 = tpu.memref_slice %arg2[%dma_start3A_82, %dma_start3A_83] : memref<10000x128xf32, #tpu.memory_space<hbm>> -> memref<10000x128xf32, #tpu.memory_space<hbm>>
        tpu.enqueue_indirect_dma source(%dma_start3A_84 : memref<10000x128xf32, #tpu.memory_space<hbm>>) target(%arg7 : memref<128x128xf32, #tpu.memory_space<vmem>>) offsets(%dma_start3A_81 : memref<128xi32, #tpu.memory_space<vmem>>) semaphore(%arg12 : memref<!tpu.dma_semaphore, #tpu.memory_space<semaphore_mem>>)
      } else {
      }
      %mul3A_70 = arith.constant 2 : i32
      %mul3A_71 = arith.muli %mul3A_70, %scan3A_35 : i32
      %add3A_72 = arith.constant 1 : i32
      %add3A_73 = arith.addi %mul3A_71, %add3A_72 : i32
      "tpu.region"() ({
        %run_scoped3A = tpu.sem_alloc : memref<!tpu.dma_semaphore, #tpu.memory_space<semaphore_mem>>
        %dma_start3A_75 = arith.constant 0 : i32
        %dma_start3A_76 = tpu.memref_slice %arg10[%add3A_73, %dma_start3A_75] : memref<40x128xi32, #tpu.memory_space<vmem>> -> memref<1x128xi32, #tpu.memory_space<vmem>>
        %dma_start3A_77 = tpu.memref_squeeze %dma_start3A_76 : memref<1x128xi32, #tpu.memory_space<vmem>> -> memref<128xi32, #tpu.memory_space<vmem>>
        %dma_start3A_78 = arith.constant 0 : i32
        %dma_start3A_79 = arith.constant 0 : i32
        %dma_start3A_80 = tpu.memref_slice %arg11[%dma_start3A_78, %dma_start3A_79] : memref<10112x128xf32, #tpu.memory_space<vmem_shared>> -> memref<10112x128xf32, #tpu.memory_space<vmem_shared>>
        tpu.enqueue_indirect_dma source(%arg8 : memref<128x128xf32, #tpu.memory_space<vmem>>) target(%dma_start3A_80 : memref<10112x128xf32, #tpu.memory_space<vmem_shared>>) offsets(%dma_start3A_77 : memref<128xi32, #tpu.memory_space<vmem>>) semaphore(%run_scoped3A : memref<!tpu.dma_semaphore, #tpu.memory_space<semaphore_mem>>) {add = true}
        %dma_wait3A_81 = arith.constant 0 : i32
        %dma_wait3A_82 = tpu.memref_slice %arg10[%add3A_73, %dma_wait3A_81] : memref<40x128xi32, #tpu.memory_space<vmem>> -> memref<1x128xi32, #tpu.memory_space<vmem>>
        %dma_wait3A_83 = tpu.memref_squeeze %dma_wait3A_82 : memref<1x128xi32, #tpu.memory_space<vmem>> -> memref<128xi32, #tpu.memory_space<vmem>>
        %dma_wait3A_84 = arith.constant 0 : i32
        %dma_wait3A_85 = arith.constant 0 : i32
        %dma_wait3A_86 = tpu.memref_slice %arg11[%dma_wait3A_84, %dma_wait3A_85] : memref<10112x128xf32, #tpu.memory_space<vmem_shared>> -> memref<10112x128xf32, #tpu.memory_space<vmem_shared>>
        tpu.wait_indirect_dma semaphore(%run_scoped3A : memref<!tpu.dma_semaphore, #tpu.memory_space<semaphore_mem>>) src(%arg8 : memref<128x128xf32, #tpu.memory_space<vmem>>) dst(%dma_wait3A_86 : memref<10112x128xf32, #tpu.memory_space<vmem_shared>>)
        tpu.yield
      }) : () -> ()
      %scan3A_74 = arith.constant 0 : i32
      scf.yield %scan3A_74 : i32
    }
    %scan3A_14 = arith.constant 20 : i32
    "tpu.region"() ({
      %run_scoped3A = tpu.sem_alloc : memref<!tpu.dma_semaphore, #tpu.memory_space<semaphore_mem>>
      %dma_start3A_35 = arith.constant 40 : i32
      %dma_start3A_36 = arith.constant 0 : i32
      %dma_start3A_37 = tpu.memref_slice %arg3[%add3A, %dma_start3A_35, %dma_start3A_36] : memref<32x80x128xi32, #tpu.memory_space<hbm>> -> memref<1x40x128xi32, #tpu.memory_space<hbm>>
      %dma_start3A_38 = tpu.memref_squeeze %dma_start3A_37 : memref<1x40x128xi32, #tpu.memory_space<hbm>> -> memref<40x128xi32, #tpu.memory_space<hbm>>
      %dma_start3A_39 = arith.constant 40 : i32
      %dma_start3A_40 = arith.constant 0 : i32
      %dma_start3A_41 = tpu.memref_slice %arg3[%add3A, %dma_start3A_39, %dma_start3A_40] : memref<32x80x128xi32, #tpu.memory_space<hbm>> -> memref<1x40x128xi32, #tpu.memory_space<hbm>>
      %dma_start3A_42 = tpu.memref_squeeze %dma_start3A_41 : memref<1x40x128xi32, #tpu.memory_space<hbm>> -> memref<40x128xi32, #tpu.memory_space<hbm>>
      tpu.enqueue_dma source(%dma_start3A_42 : memref<40x128xi32, #tpu.memory_space<hbm>>) target(%arg9 : memref<40x128xi32, #tpu.memory_space<vmem>>) target_semaphore(%run_scoped3A : memref<!tpu.dma_semaphore, #tpu.memory_space<semaphore_mem>>)
      %dma_wait3A = arith.constant 40 : i32
      %dma_wait3A_43 = arith.constant 0 : i32
      %dma_wait3A_44 = tpu.memref_slice %arg3[%add3A, %dma_wait3A, %dma_wait3A_43] : memref<32x80x128xi32, #tpu.memory_space<hbm>> -> memref<1x40x128xi32, #tpu.memory_space<hbm>>
      %dma_wait3A_45 = tpu.memref_squeeze %dma_wait3A_44 : memref<1x40x128xi32, #tpu.memory_space<hbm>> -> memref<40x128xi32, #tpu.memory_space<hbm>>
      %dma_wait3A_46 = arith.constant 40 : i32
      %dma_wait3A_47 = arith.constant 0 : i32
      %dma_wait3A_48 = tpu.memref_slice %arg3[%add3A, %dma_wait3A_46, %dma_wait3A_47] : memref<32x80x128xi32, #tpu.memory_space<hbm>> -> memref<1x40x128xi32, #tpu.memory_space<hbm>>
      %dma_wait3A_49 = tpu.memref_squeeze %dma_wait3A_48 : memref<1x40x128xi32, #tpu.memory_space<hbm>> -> memref<40x128xi32, #tpu.memory_space<hbm>>
      tpu.wait_dma2 semaphore(%run_scoped3A : memref<!tpu.dma_semaphore, #tpu.memory_space<semaphore_mem>>) src(%dma_wait3A_49 : memref<40x128xi32, #tpu.memory_space<hbm>>) dst(%arg9 : memref<40x128xi32, #tpu.memory_space<vmem>>)
      tpu.yield
    }) : () -> ()
    "tpu.region"() ({
      %run_scoped3A = tpu.sem_alloc : memref<!tpu.dma_semaphore, #tpu.memory_space<semaphore_mem>>
      %dma_start3A_35 = arith.constant 40 : i32
      %dma_start3A_36 = arith.constant 0 : i32
      %dma_start3A_37 = tpu.memref_slice %arg4[%add3A, %dma_start3A_35, %dma_start3A_36] : memref<32x80x128xi32, #tpu.memory_space<hbm>> -> memref<1x40x128xi32, #tpu.memory_space<hbm>>
      %dma_start3A_38 = tpu.memref_squeeze %dma_start3A_37 : memref<1x40x128xi32, #tpu.memory_space<hbm>> -> memref<40x128xi32, #tpu.memory_space<hbm>>
      %dma_start3A_39 = arith.constant 40 : i32
      %dma_start3A_40 = arith.constant 0 : i32
      %dma_start3A_41 = tpu.memref_slice %arg4[%add3A, %dma_start3A_39, %dma_start3A_40] : memref<32x80x128xi32, #tpu.memory_space<hbm>> -> memref<1x40x128xi32, #tpu.memory_space<hbm>>
      %dma_start3A_42 = tpu.memref_squeeze %dma_start3A_41 : memref<1x40x128xi32, #tpu.memory_space<hbm>> -> memref<40x128xi32, #tpu.memory_space<hbm>>
      tpu.enqueue_dma source(%dma_start3A_42 : memref<40x128xi32, #tpu.memory_space<hbm>>) target(%arg10 : memref<40x128xi32, #tpu.memory_space<vmem>>) target_semaphore(%run_scoped3A : memref<!tpu.dma_semaphore, #tpu.memory_space<semaphore_mem>>)
      %dma_wait3A = arith.constant 40 : i32
      %dma_wait3A_43 = arith.constant 0 : i32
      %dma_wait3A_44 = tpu.memref_slice %arg4[%add3A, %dma_wait3A, %dma_wait3A_43] : memref<32x80x128xi32, #tpu.memory_space<hbm>> -> memref<1x40x128xi32, #tpu.memory_space<hbm>>
      %dma_wait3A_45 = tpu.memref_squeeze %dma_wait3A_44 : memref<1x40x128xi32, #tpu.memory_space<hbm>> -> memref<40x128xi32, #tpu.memory_space<hbm>>
      %dma_wait3A_46 = arith.constant 40 : i32
      %dma_wait3A_47 = arith.constant 0 : i32
      %dma_wait3A_48 = tpu.memref_slice %arg4[%add3A, %dma_wait3A_46, %dma_wait3A_47] : memref<32x80x128xi32, #tpu.memory_space<hbm>> -> memref<1x40x128xi32, #tpu.memory_space<hbm>>
      %dma_wait3A_49 = tpu.memref_squeeze %dma_wait3A_48 : memref<1x40x128xi32, #tpu.memory_space<hbm>> -> memref<40x128xi32, #tpu.memory_space<hbm>>
      tpu.wait_dma2 semaphore(%run_scoped3A : memref<!tpu.dma_semaphore, #tpu.memory_space<semaphore_mem>>) src(%dma_wait3A_49 : memref<40x128xi32, #tpu.memory_space<hbm>>) dst(%arg10 : memref<40x128xi32, #tpu.memory_space<vmem>>)
      tpu.yield
    }) : () -> ()
    %dma_start3A_15 = arith.constant 0 : i32
    %dma_start3A_16 = arith.constant 0 : i32
    %dma_start3A_17 = tpu.memref_slice %arg9[%dma_start3A_15, %dma_start3A_16] : memref<40x128xi32, #tpu.memory_space<vmem>> -> memref<1x128xi32, #tpu.memory_space<vmem>>
    %dma_start3A_18 = tpu.memref_squeeze %dma_start3A_17 : memref<1x128xi32, #tpu.memory_space<vmem>> -> memref<128xi32, #tpu.memory_space<vmem>>
    %dma_start3A_19 = arith.constant 0 : i32
    %dma_start3A_20 = arith.constant 0 : i32
    %dma_start3A_21 = tpu.memref_slice %arg2[%dma_start3A_19, %dma_start3A_20] : memref<10000x128xf32, #tpu.memory_space<hbm>> -> memref<10000x128xf32, #tpu.memory_space<hbm>>
    tpu.enqueue_indirect_dma source(%dma_start3A_21 : memref<10000x128xf32, #tpu.memory_space<hbm>>) target(%arg7 : memref<128x128xf32, #tpu.memory_space<vmem>>) offsets(%dma_start3A_18 : memref<128xi32, #tpu.memory_space<vmem>>) semaphore(%arg12 : memref<!tpu.dma_semaphore, #tpu.memory_space<semaphore_mem>>)
    %scan3A_22 = arith.constant 0 : i32
    %scan3A_23 = arith.constant 0 : i32
    %scan3A_24 = arith.constant 20 : i32
    %scan3A_25 = arith.addi %scan3A_23, %scan3A_24 : i32
    %scan3A_26 = arith.constant 1 : i32
    %scan3A_27 = scf.for %scan3A_35 = %scan3A_23 to %scan3A_25 step %scan3A_26 iter_args(%scan3A_36 = %scan3A_22) -> (i32)  : i32 {
      %mul3A_37 = arith.constant 2 : i32
      %mul3A_38 = arith.muli %mul3A_37, %scan3A_35 : i32
      %dma_wait3A = arith.constant 0 : i32
      %dma_wait3A_39 = tpu.memref_slice %arg9[%mul3A_38, %dma_wait3A] : memref<40x128xi32, #tpu.memory_space<vmem>> -> memref<1x128xi32, #tpu.memory_space<vmem>>
      %dma_wait3A_40 = tpu.memref_squeeze %dma_wait3A_39 : memref<1x128xi32, #tpu.memory_space<vmem>> -> memref<128xi32, #tpu.memory_space<vmem>>
      %dma_wait3A_41 = arith.constant 0 : i32
      %dma_wait3A_42 = arith.constant 0 : i32
      %dma_wait3A_43 = tpu.memref_slice %arg2[%dma_wait3A_41, %dma_wait3A_42] : memref<10000x128xf32, #tpu.memory_space<hbm>> -> memref<10000x128xf32, #tpu.memory_space<hbm>>
      tpu.wait_indirect_dma semaphore(%arg12 : memref<!tpu.dma_semaphore, #tpu.memory_space<semaphore_mem>>) src(%dma_wait3A_43 : memref<10000x128xf32, #tpu.memory_space<hbm>>) dst(%arg7 : memref<128x128xf32, #tpu.memory_space<vmem>>)
      %mul3A_44 = arith.constant 2 : i32
      %mul3A_45 = arith.muli %mul3A_44, %scan3A_35 : i32
      %add3A_46 = arith.constant 1 : i32
      %add3A_47 = arith.addi %mul3A_45, %add3A_46 : i32
      %dma_start3A_48 = arith.constant 0 : i32
      %dma_start3A_49 = tpu.memref_slice %arg9[%add3A_47, %dma_start3A_48] : memref<40x128xi32, #tpu.memory_space<vmem>> -> memref<1x128xi32, #tpu.memory_space<vmem>>
      %dma_start3A_50 = tpu.memref_squeeze %dma_start3A_49 : memref<1x128xi32, #tpu.memory_space<vmem>> -> memref<128xi32, #tpu.memory_space<vmem>>
      %dma_start3A_51 = arith.constant 0 : i32
      %dma_start3A_52 = arith.constant 0 : i32
      %dma_start3A_53 = tpu.memref_slice %arg2[%dma_start3A_51, %dma_start3A_52] : memref<10000x128xf32, #tpu.memory_space<hbm>> -> memref<10000x128xf32, #tpu.memory_space<hbm>>
      tpu.enqueue_indirect_dma source(%dma_start3A_53 : memref<10000x128xf32, #tpu.memory_space<hbm>>) target(%arg8 : memref<128x128xf32, #tpu.memory_space<vmem>>) offsets(%dma_start3A_50 : memref<128xi32, #tpu.memory_space<vmem>>) semaphore(%arg13 : memref<!tpu.dma_semaphore, #tpu.memory_space<semaphore_mem>>)
      %mul3A_54 = arith.constant 2 : i32
      %mul3A_55 = arith.muli %mul3A_54, %scan3A_35 : i32
      "tpu.region"() ({
        %run_scoped3A = tpu.sem_alloc : memref<!tpu.dma_semaphore, #tpu.memory_space<semaphore_mem>>
        %dma_start3A_75 = arith.constant 0 : i32
        %dma_start3A_76 = tpu.memref_slice %arg10[%mul3A_55, %dma_start3A_75] : memref<40x128xi32, #tpu.memory_space<vmem>> -> memref<1x128xi32, #tpu.memory_space<vmem>>
        %dma_start3A_77 = tpu.memref_squeeze %dma_start3A_76 : memref<1x128xi32, #tpu.memory_space<vmem>> -> memref<128xi32, #tpu.memory_space<vmem>>
        %dma_start3A_78 = arith.constant 0 : i32
        %dma_start3A_79 = arith.constant 0 : i32
        %dma_start3A_80 = tpu.memref_slice %arg11[%dma_start3A_78, %dma_start3A_79] : memref<10112x128xf32, #tpu.memory_space<vmem_shared>> -> memref<10112x128xf32, #tpu.memory_space<vmem_shared>>
        tpu.enqueue_indirect_dma source(%arg7 : memref<128x128xf32, #tpu.memory_space<vmem>>) target(%dma_start3A_80 : memref<10112x128xf32, #tpu.memory_space<vmem_shared>>) offsets(%dma_start3A_77 : memref<128xi32, #tpu.memory_space<vmem>>) semaphore(%run_scoped3A : memref<!tpu.dma_semaphore, #tpu.memory_space<semaphore_mem>>) {add = true}
        %dma_wait3A_81 = arith.constant 0 : i32
        %dma_wait3A_82 = tpu.memref_slice %arg10[%mul3A_55, %dma_wait3A_81] : memref<40x128xi32, #tpu.memory_space<vmem>> -> memref<1x128xi32, #tpu.memory_space<vmem>>
        %dma_wait3A_83 = tpu.memref_squeeze %dma_wait3A_82 : memref<1x128xi32, #tpu.memory_space<vmem>> -> memref<128xi32, #tpu.memory_space<vmem>>
        %dma_wait3A_84 = arith.constant 0 : i32
        %dma_wait3A_85 = arith.constant 0 : i32
        %dma_wait3A_86 = tpu.memref_slice %arg11[%dma_wait3A_84, %dma_wait3A_85] : memref<10112x128xf32, #tpu.memory_space<vmem_shared>> -> memref<10112x128xf32, #tpu.memory_space<vmem_shared>>
        tpu.wait_indirect_dma semaphore(%run_scoped3A : memref<!tpu.dma_semaphore, #tpu.memory_space<semaphore_mem>>) src(%arg7 : memref<128x128xf32, #tpu.memory_space<vmem>>) dst(%dma_wait3A_86 : memref<10112x128xf32, #tpu.memory_space<vmem_shared>>)
        tpu.yield
      }) : () -> ()
      %mul3A_56 = arith.constant 2 : i32
      %mul3A_57 = arith.muli %mul3A_56, %scan3A_35 : i32
      %add3A_58 = arith.constant 1 : i32
      %add3A_59 = arith.addi %mul3A_57, %add3A_58 : i32
      %dma_wait3A_60 = arith.constant 0 : i32
      %dma_wait3A_61 = tpu.memref_slice %arg9[%add3A_59, %dma_wait3A_60] : memref<40x128xi32, #tpu.memory_space<vmem>> -> memref<1x128xi32, #tpu.memory_space<vmem>>
      %dma_wait3A_62 = tpu.memref_squeeze %dma_wait3A_61 : memref<1x128xi32, #tpu.memory_space<vmem>> -> memref<128xi32, #tpu.memory_space<vmem>>
      %dma_wait3A_63 = arith.constant 0 : i32
      %dma_wait3A_64 = arith.constant 0 : i32
      %dma_wait3A_65 = tpu.memref_slice %arg2[%dma_wait3A_63, %dma_wait3A_64] : memref<10000x128xf32, #tpu.memory_space<hbm>> -> memref<10000x128xf32, #tpu.memory_space<hbm>>
      tpu.wait_indirect_dma semaphore(%arg13 : memref<!tpu.dma_semaphore, #tpu.memory_space<semaphore_mem>>) src(%dma_wait3A_65 : memref<10000x128xf32, #tpu.memory_space<hbm>>) dst(%arg8 : memref<128x128xf32, #tpu.memory_space<vmem>>)
      %lt3A = arith.constant 19 : i32
      %lt3A_66 = arith.cmpi slt, %scan3A_35, %lt3A : i32
      %convert_element_type3A_67 = arith.extui %lt3A_66 : i1 to i32
      %cond3A_68 = arith.constant 0 : i32
      %cond3A_69 = arith.cmpi ne, %convert_element_type3A_67, %cond3A_68 : i32
      scf.if %cond3A_69 {
        %mul3A_75 = arith.constant 2 : i32
        %mul3A_76 = arith.muli %mul3A_75, %scan3A_35 : i32
        %add3A_77 = arith.constant 2 : i32
        %add3A_78 = arith.addi %mul3A_76, %add3A_77 : i32
        %dma_start3A_79 = arith.constant 0 : i32
        %dma_start3A_80 = tpu.memref_slice %arg9[%add3A_78, %dma_start3A_79] : memref<40x128xi32, #tpu.memory_space<vmem>> -> memref<1x128xi32, #tpu.memory_space<vmem>>
        %dma_start3A_81 = tpu.memref_squeeze %dma_start3A_80 : memref<1x128xi32, #tpu.memory_space<vmem>> -> memref<128xi32, #tpu.memory_space<vmem>>
        %dma_start3A_82 = arith.constant 0 : i32
        %dma_start3A_83 = arith.constant 0 : i32
        %dma_start3A_84 = tpu.memref_slice %arg2[%dma_start3A_82, %dma_start3A_83] : memref<10000x128xf32, #tpu.memory_space<hbm>> -> memref<10000x128xf32, #tpu.memory_space<hbm>>
        tpu.enqueue_indirect_dma source(%dma_start3A_84 : memref<10000x128xf32, #tpu.memory_space<hbm>>) target(%arg7 : memref<128x128xf32, #tpu.memory_space<vmem>>) offsets(%dma_start3A_81 : memref<128xi32, #tpu.memory_space<vmem>>) semaphore(%arg12 : memref<!tpu.dma_semaphore, #tpu.memory_space<semaphore_mem>>)
      } else {
      }
      %mul3A_70 = arith.constant 2 : i32
      %mul3A_71 = arith.muli %mul3A_70, %scan3A_35 : i32
      %add3A_72 = arith.constant 1 : i32
      %add3A_73 = arith.addi %mul3A_71, %add3A_72 : i32
      "tpu.region"() ({
        %run_scoped3A = tpu.sem_alloc : memref<!tpu.dma_semaphore, #tpu.memory_space<semaphore_mem>>
        %dma_start3A_75 = arith.constant 0 : i32
        %dma_start3A_76 = tpu.memref_slice %arg10[%add3A_73, %dma_start3A_75] : memref<40x128xi32, #tpu.memory_space<vmem>> -> memref<1x128xi32, #tpu.memory_space<vmem>>
        %dma_start3A_77 = tpu.memref_squeeze %dma_start3A_76 : memref<1x128xi32, #tpu.memory_space<vmem>> -> memref<128xi32, #tpu.memory_space<vmem>>
        %dma_start3A_78 = arith.constant 0 : i32
        %dma_start3A_79 = arith.constant 0 : i32
        %dma_start3A_80 = tpu.memref_slice %arg11[%dma_start3A_78, %dma_start3A_79] : memref<10112x128xf32, #tpu.memory_space<vmem_shared>> -> memref<10112x128xf32, #tpu.memory_space<vmem_shared>>
        tpu.enqueue_indirect_dma source(%arg8 : memref<128x128xf32, #tpu.memory_space<vmem>>) target(%dma_start3A_80 : memref<10112x128xf32, #tpu.memory_space<vmem_shared>>) offsets(%dma_start3A_77 : memref<128xi32, #tpu.memory_space<vmem>>) semaphore(%run_scoped3A : memref<!tpu.dma_semaphore, #tpu.memory_space<semaphore_mem>>) {add = true}
        %dma_wait3A_81 = arith.constant 0 : i32
        %dma_wait3A_82 = tpu.memref_slice %arg10[%add3A_73, %dma_wait3A_81] : memref<40x128xi32, #tpu.memory_space<vmem>> -> memref<1x128xi32, #tpu.memory_space<vmem>>
        %dma_wait3A_83 = tpu.memref_squeeze %dma_wait3A_82 : memref<1x128xi32, #tpu.memory_space<vmem>> -> memref<128xi32, #tpu.memory_space<vmem>>
        %dma_wait3A_84 = arith.constant 0 : i32
        %dma_wait3A_85 = arith.constant 0 : i32
        %dma_wait3A_86 = tpu.memref_slice %arg11[%dma_wait3A_84, %dma_wait3A_85] : memref<10112x128xf32, #tpu.memory_space<vmem_shared>> -> memref<10112x128xf32, #tpu.memory_space<vmem_shared>>
        tpu.wait_indirect_dma semaphore(%run_scoped3A : memref<!tpu.dma_semaphore, #tpu.memory_space<semaphore_mem>>) src(%arg8 : memref<128x128xf32, #tpu.memory_space<vmem>>) dst(%dma_wait3A_86 : memref<10112x128xf32, #tpu.memory_space<vmem_shared>>)
        tpu.yield
      }) : () -> ()
      %scan3A_74 = arith.constant 0 : i32
      scf.yield %scan3A_74 : i32
    }
    %scan3A_28 = arith.constant 20 : i32
    %barrier3A_29 = arith.constant 0 : index
    tpu.barrier barrier_id(%barrier3A_29)
    %eq3A_30 = arith.constant 0 : i32
    %eq3A_31 = arith.cmpi eq, %arg1, %eq3A_30 : i32
    %convert_element_type3A_32 = arith.extui %eq3A_31 : i1 to i32
    %cond3A_33 = arith.constant 0 : i32
    %cond3A_34 = arith.cmpi ne, %convert_element_type3A_32, %cond3A_33 : i32
    scf.if %cond3A_34 {
      "tpu.region"() ({
        %run_scoped3A = tpu.sem_alloc : memref<!tpu.dma_semaphore, #tpu.memory_space<semaphore_mem>>
        %dma_start3A_35 = arith.constant 0 : i32
        %dma_start3A_36 = arith.constant 0 : i32
        %dma_start3A_37 = tpu.memref_slice %arg6[%arg0, %dma_start3A_35, %dma_start3A_36] : memref<2x10112x128xf32, #tpu.memory_space<hbm>> -> memref<1x10112x128xf32, #tpu.memory_space<hbm>>
        %dma_start3A_38 = tpu.memref_squeeze %dma_start3A_37 : memref<1x10112x128xf32, #tpu.memory_space<hbm>> -> memref<10112x128xf32, #tpu.memory_space<hbm>>
        tpu.enqueue_dma source(%arg11 : memref<10112x128xf32, #tpu.memory_space<vmem_shared>>) target(%dma_start3A_38 : memref<10112x128xf32, #tpu.memory_space<hbm>>) target_semaphore(%run_scoped3A : memref<!tpu.dma_semaphore, #tpu.memory_space<semaphore_mem>>)
        %dma_wait3A = arith.constant 0 : i32
        %dma_wait3A_39 = arith.constant 0 : i32
        %dma_wait3A_40 = tpu.memref_slice %arg6[%arg0, %dma_wait3A, %dma_wait3A_39] : memref<2x10112x128xf32, #tpu.memory_space<hbm>> -> memref<1x10112x128xf32, #tpu.memory_space<hbm>>
        %dma_wait3A_41 = tpu.memref_squeeze %dma_wait3A_40 : memref<1x10112x128xf32, #tpu.memory_space<hbm>> -> memref<10112x128xf32, #tpu.memory_space<hbm>>
        tpu.wait_dma2 semaphore(%run_scoped3A : memref<!tpu.dma_semaphore, #tpu.memory_space<semaphore_mem>>) src(%arg11 : memref<10112x128xf32, #tpu.memory_space<vmem_shared>>) dst(%dma_wait3A_41 : memref<10112x128xf32, #tpu.memory_space<hbm>>)
        tpu.yield
      }) : () -> ()
    } else {
    }
    return
  }
}

#map = affine_map<(d0, d1) -> (0, 0, 0)>
#map1 = affine_map<(d0, d1) -> (0, 0)>
module attributes {stable_mosaic.version = 14 : i64} {
  func.func @_sc_deg_body(%arg0: i32, %arg1: i32, %arg2: memref<32x80x128xi32, #tpu.memory_space<hbm>>, %arg3: memref<128x128xf32, #tpu.memory_space<hbm>>, %arg4: memref<10112x128xf32, #tpu.memory_space<hbm>>, %arg5: memref<2x10112x128xf32, #tpu.memory_space<hbm>>, %arg6: memref<80x128xi32, #tpu.memory_space<vmem>>, %arg7: memref<128x128xf32, #tpu.memory_space<vmem>>, %arg8: memref<10112x128xf32, #tpu.memory_space<vmem_shared>>, %arg9: memref<!tpu.dma_semaphore, #tpu.memory_space<semaphore_mem>>) attributes {dimension_semantics = [#tpu.dimension_semantics<core_parallel>, #tpu.dimension_semantics<subcore_parallel>], iteration_bounds = array<i64: 2, 16>, scalar_prefetch = 0 : i64, scratch_operands = 4 : i64, tpu.core_type = #tpu.core_type<sc_vector_subcore>, window_params = [{transform_indices = #map}, {transform_indices = #map1}, {transform_indices = #map1}, {transform_indices = #map}]} {
    %mul3A = arith.constant 16 : i32
    %mul3A_0 = arith.muli %arg0, %mul3A : i32
    %add3A = arith.addi %mul3A_0, %arg1 : i32
    %eq3A = arith.constant 0 : i32
    %eq3A_1 = arith.cmpi eq, %arg1, %eq3A : i32
    %convert_element_type3A = arith.extui %eq3A_1 : i1 to i32
    %cond3A = arith.constant 0 : i32
    %cond3A_2 = arith.cmpi ne, %convert_element_type3A, %cond3A : i32
    scf.if %cond3A_2 {
      "tpu.region"() ({
        %run_scoped3A = tpu.sem_alloc : memref<!tpu.dma_semaphore, #tpu.memory_space<semaphore_mem>>
        tpu.enqueue_dma source(%arg4 : memref<10112x128xf32, #tpu.memory_space<hbm>>) target(%arg8 : memref<10112x128xf32, #tpu.memory_space<vmem_shared>>) target_semaphore(%run_scoped3A : memref<!tpu.dma_semaphore, #tpu.memory_space<semaphore_mem>>)
        tpu.wait_dma2 semaphore(%run_scoped3A : memref<!tpu.dma_semaphore, #tpu.memory_space<semaphore_mem>>) src(%arg4 : memref<10112x128xf32, #tpu.memory_space<hbm>>) dst(%arg8 : memref<10112x128xf32, #tpu.memory_space<vmem_shared>>)
        tpu.yield
      }) : () -> ()
    } else {
    }
    "tpu.region"() ({
      %run_scoped3A = tpu.sem_alloc : memref<!tpu.dma_semaphore, #tpu.memory_space<semaphore_mem>>
      tpu.enqueue_dma source(%arg3 : memref<128x128xf32, #tpu.memory_space<hbm>>) target(%arg7 : memref<128x128xf32, #tpu.memory_space<vmem>>) target_semaphore(%run_scoped3A : memref<!tpu.dma_semaphore, #tpu.memory_space<semaphore_mem>>)
      tpu.wait_dma2 semaphore(%run_scoped3A : memref<!tpu.dma_semaphore, #tpu.memory_space<semaphore_mem>>) src(%arg3 : memref<128x128xf32, #tpu.memory_space<hbm>>) dst(%arg7 : memref<128x128xf32, #tpu.memory_space<vmem>>)
      tpu.yield
    }) : () -> ()
    "tpu.region"() ({
      %run_scoped3A = tpu.sem_alloc : memref<!tpu.dma_semaphore, #tpu.memory_space<semaphore_mem>>
      %dma_start3A = arith.constant 0 : i32
      %dma_start3A_15 = arith.constant 0 : i32
      %dma_start3A_16 = tpu.memref_slice %arg2[%add3A, %dma_start3A, %dma_start3A_15] : memref<32x80x128xi32, #tpu.memory_space<hbm>> -> memref<1x80x128xi32, #tpu.memory_space<hbm>>
      %dma_start3A_17 = tpu.memref_squeeze %dma_start3A_16 : memref<1x80x128xi32, #tpu.memory_space<hbm>> -> memref<80x128xi32, #tpu.memory_space<hbm>>
      %dma_start3A_18 = arith.constant 0 : i32
      %dma_start3A_19 = arith.constant 0 : i32
      %dma_start3A_20 = tpu.memref_slice %arg2[%add3A, %dma_start3A_18, %dma_start3A_19] : memref<32x80x128xi32, #tpu.memory_space<hbm>> -> memref<1x80x128xi32, #tpu.memory_space<hbm>>
      %dma_start3A_21 = tpu.memref_squeeze %dma_start3A_20 : memref<1x80x128xi32, #tpu.memory_space<hbm>> -> memref<80x128xi32, #tpu.memory_space<hbm>>
      tpu.enqueue_dma source(%dma_start3A_21 : memref<80x128xi32, #tpu.memory_space<hbm>>) target(%arg6 : memref<80x128xi32, #tpu.memory_space<vmem>>) target_semaphore(%run_scoped3A : memref<!tpu.dma_semaphore, #tpu.memory_space<semaphore_mem>>)
      %dma_wait3A = arith.constant 0 : i32
      %dma_wait3A_22 = arith.constant 0 : i32
      %dma_wait3A_23 = tpu.memref_slice %arg2[%add3A, %dma_wait3A, %dma_wait3A_22] : memref<32x80x128xi32, #tpu.memory_space<hbm>> -> memref<1x80x128xi32, #tpu.memory_space<hbm>>
      %dma_wait3A_24 = tpu.memref_squeeze %dma_wait3A_23 : memref<1x80x128xi32, #tpu.memory_space<hbm>> -> memref<80x128xi32, #tpu.memory_space<hbm>>
      %dma_wait3A_25 = arith.constant 0 : i32
      %dma_wait3A_26 = arith.constant 0 : i32
      %dma_wait3A_27 = tpu.memref_slice %arg2[%add3A, %dma_wait3A_25, %dma_wait3A_26] : memref<32x80x128xi32, #tpu.memory_space<hbm>> -> memref<1x80x128xi32, #tpu.memory_space<hbm>>
      %dma_wait3A_28 = tpu.memref_squeeze %dma_wait3A_27 : memref<1x80x128xi32, #tpu.memory_space<hbm>> -> memref<80x128xi32, #tpu.memory_space<hbm>>
      tpu.wait_dma2 semaphore(%run_scoped3A : memref<!tpu.dma_semaphore, #tpu.memory_space<semaphore_mem>>) src(%dma_wait3A_28 : memref<80x128xi32, #tpu.memory_space<hbm>>) dst(%arg6 : memref<80x128xi32, #tpu.memory_space<vmem>>)
      tpu.yield
    }) : () -> ()
    %barrier3A = arith.constant 0 : index
    tpu.barrier barrier_id(%barrier3A)
    %scan3A = arith.constant 0 : i32
    %scan3A_3 = arith.constant 0 : i32
    %scan3A_4 = arith.constant 20 : i32
    %scan3A_5 = arith.addi %scan3A_3, %scan3A_4 : i32
    %scan3A_6 = arith.constant 1 : i32
    %scan3A_7 = scf.for %scan3A_15 = %scan3A_3 to %scan3A_5 step %scan3A_6 iter_args(%scan3A_16 = %scan3A) -> (i32)  : i32 {
      %mul3A_17 = arith.constant 4 : i32
      %mul3A_18 = arith.muli %mul3A_17, %scan3A_15 : i32
      %add3A_19 = arith.constant 0 : i32
      %add3A_20 = arith.addi %mul3A_18, %add3A_19 : i32
      %dma_start3A = arith.constant 0 : i32
      %dma_start3A_21 = tpu.memref_slice %arg6[%add3A_20, %dma_start3A] : memref<80x128xi32, #tpu.memory_space<vmem>> -> memref<1x128xi32, #tpu.memory_space<vmem>>
      %dma_start3A_22 = tpu.memref_squeeze %dma_start3A_21 : memref<1x128xi32, #tpu.memory_space<vmem>> -> memref<128xi32, #tpu.memory_space<vmem>>
      %dma_start3A_23 = arith.constant 0 : i32
      %dma_start3A_24 = arith.constant 0 : i32
      %dma_start3A_25 = tpu.memref_slice %arg8[%dma_start3A_23, %dma_start3A_24] : memref<10112x128xf32, #tpu.memory_space<vmem_shared>> -> memref<10112x128xf32, #tpu.memory_space<vmem_shared>>
      tpu.enqueue_indirect_dma source(%arg7 : memref<128x128xf32, #tpu.memory_space<vmem>>) target(%dma_start3A_25 : memref<10112x128xf32, #tpu.memory_space<vmem_shared>>) offsets(%dma_start3A_22 : memref<128xi32, #tpu.memory_space<vmem>>) semaphore(%arg9 : memref<!tpu.dma_semaphore, #tpu.memory_space<semaphore_mem>>) {add = true}
      %mul3A_26 = arith.constant 4 : i32
      %mul3A_27 = arith.muli %mul3A_26, %scan3A_15 : i32
      %add3A_28 = arith.constant 1 : i32
      %add3A_29 = arith.addi %mul3A_27, %add3A_28 : i32
      %dma_start3A_30 = arith.constant 0 : i32
      %dma_start3A_31 = tpu.memref_slice %arg6[%add3A_29, %dma_start3A_30] : memref<80x128xi32, #tpu.memory_space<vmem>> -> memref<1x128xi32, #tpu.memory_space<vmem>>
      %dma_start3A_32 = tpu.memref_squeeze %dma_start3A_31 : memref<1x128xi32, #tpu.memory_space<vmem>> -> memref<128xi32, #tpu.memory_space<vmem>>
      %dma_start3A_33 = arith.constant 0 : i32
      %dma_start3A_34 = arith.constant 0 : i32
      %dma_start3A_35 = tpu.memref_slice %arg8[%dma_start3A_33, %dma_start3A_34] : memref<10112x128xf32, #tpu.memory_space<vmem_shared>> -> memref<10112x128xf32, #tpu.memory_space<vmem_shared>>
      tpu.enqueue_indirect_dma source(%arg7 : memref<128x128xf32, #tpu.memory_space<vmem>>) target(%dma_start3A_35 : memref<10112x128xf32, #tpu.memory_space<vmem_shared>>) offsets(%dma_start3A_32 : memref<128xi32, #tpu.memory_space<vmem>>) semaphore(%arg9 : memref<!tpu.dma_semaphore, #tpu.memory_space<semaphore_mem>>) {add = true}
      %mul3A_36 = arith.constant 4 : i32
      %mul3A_37 = arith.muli %mul3A_36, %scan3A_15 : i32
      %add3A_38 = arith.constant 2 : i32
      %add3A_39 = arith.addi %mul3A_37, %add3A_38 : i32
      %dma_start3A_40 = arith.constant 0 : i32
      %dma_start3A_41 = tpu.memref_slice %arg6[%add3A_39, %dma_start3A_40] : memref<80x128xi32, #tpu.memory_space<vmem>> -> memref<1x128xi32, #tpu.memory_space<vmem>>
      %dma_start3A_42 = tpu.memref_squeeze %dma_start3A_41 : memref<1x128xi32, #tpu.memory_space<vmem>> -> memref<128xi32, #tpu.memory_space<vmem>>
      %dma_start3A_43 = arith.constant 0 : i32
      %dma_start3A_44 = arith.constant 0 : i32
      %dma_start3A_45 = tpu.memref_slice %arg8[%dma_start3A_43, %dma_start3A_44] : memref<10112x128xf32, #tpu.memory_space<vmem_shared>> -> memref<10112x128xf32, #tpu.memory_space<vmem_shared>>
      tpu.enqueue_indirect_dma source(%arg7 : memref<128x128xf32, #tpu.memory_space<vmem>>) target(%dma_start3A_45 : memref<10112x128xf32, #tpu.memory_space<vmem_shared>>) offsets(%dma_start3A_42 : memref<128xi32, #tpu.memory_space<vmem>>) semaphore(%arg9 : memref<!tpu.dma_semaphore, #tpu.memory_space<semaphore_mem>>) {add = true}
      %mul3A_46 = arith.constant 4 : i32
      %mul3A_47 = arith.muli %mul3A_46, %scan3A_15 : i32
      %add3A_48 = arith.constant 3 : i32
      %add3A_49 = arith.addi %mul3A_47, %add3A_48 : i32
      %dma_start3A_50 = arith.constant 0 : i32
      %dma_start3A_51 = tpu.memref_slice %arg6[%add3A_49, %dma_start3A_50] : memref<80x128xi32, #tpu.memory_space<vmem>> -> memref<1x128xi32, #tpu.memory_space<vmem>>
      %dma_start3A_52 = tpu.memref_squeeze %dma_start3A_51 : memref<1x128xi32, #tpu.memory_space<vmem>> -> memref<128xi32, #tpu.memory_space<vmem>>
      %dma_start3A_53 = arith.constant 0 : i32
      %dma_start3A_54 = arith.constant 0 : i32
      %dma_start3A_55 = tpu.memref_slice %arg8[%dma_start3A_53, %dma_start3A_54] : memref<10112x128xf32, #tpu.memory_space<vmem_shared>> -> memref<10112x128xf32, #tpu.memory_space<vmem_shared>>
      tpu.enqueue_indirect_dma source(%arg7 : memref<128x128xf32, #tpu.memory_space<vmem>>) target(%dma_start3A_55 : memref<10112x128xf32, #tpu.memory_space<vmem_shared>>) offsets(%dma_start3A_52 : memref<128xi32, #tpu.memory_space<vmem>>) semaphore(%arg9 : memref<!tpu.dma_semaphore, #tpu.memory_space<semaphore_mem>>) {add = true}
      %mul3A_56 = arith.constant 4 : i32
      %mul3A_57 = arith.muli %mul3A_56, %scan3A_15 : i32
      %add3A_58 = arith.constant 0 : i32
      %add3A_59 = arith.addi %mul3A_57, %add3A_58 : i32
      %dma_wait3A = arith.constant 0 : i32
      %dma_wait3A_60 = tpu.memref_slice %arg6[%add3A_59, %dma_wait3A] : memref<80x128xi32, #tpu.memory_space<vmem>> -> memref<1x128xi32, #tpu.memory_space<vmem>>
      %dma_wait3A_61 = tpu.memref_squeeze %dma_wait3A_60 : memref<1x128xi32, #tpu.memory_space<vmem>> -> memref<128xi32, #tpu.memory_space<vmem>>
      %dma_wait3A_62 = arith.constant 0 : i32
      %dma_wait3A_63 = arith.constant 0 : i32
      %dma_wait3A_64 = tpu.memref_slice %arg8[%dma_wait3A_62, %dma_wait3A_63] : memref<10112x128xf32, #tpu.memory_space<vmem_shared>> -> memref<10112x128xf32, #tpu.memory_space<vmem_shared>>
      tpu.wait_indirect_dma semaphore(%arg9 : memref<!tpu.dma_semaphore, #tpu.memory_space<semaphore_mem>>) src(%arg7 : memref<128x128xf32, #tpu.memory_space<vmem>>) dst(%dma_wait3A_64 : memref<10112x128xf32, #tpu.memory_space<vmem_shared>>)
      %mul3A_65 = arith.constant 4 : i32
      %mul3A_66 = arith.muli %mul3A_65, %scan3A_15 : i32
      %add3A_67 = arith.constant 1 : i32
      %add3A_68 = arith.addi %mul3A_66, %add3A_67 : i32
      %dma_wait3A_69 = arith.constant 0 : i32
      %dma_wait3A_70 = tpu.memref_slice %arg6[%add3A_68, %dma_wait3A_69] : memref<80x128xi32, #tpu.memory_space<vmem>> -> memref<1x128xi32, #tpu.memory_space<vmem>>
      %dma_wait3A_71 = tpu.memref_squeeze %dma_wait3A_70 : memref<1x128xi32, #tpu.memory_space<vmem>> -> memref<128xi32, #tpu.memory_space<vmem>>
      %dma_wait3A_72 = arith.constant 0 : i32
      %dma_wait3A_73 = arith.constant 0 : i32
      %dma_wait3A_74 = tpu.memref_slice %arg8[%dma_wait3A_72, %dma_wait3A_73] : memref<10112x128xf32, #tpu.memory_space<vmem_shared>> -> memref<10112x128xf32, #tpu.memory_space<vmem_shared>>
      tpu.wait_indirect_dma semaphore(%arg9 : memref<!tpu.dma_semaphore, #tpu.memory_space<semaphore_mem>>) src(%arg7 : memref<128x128xf32, #tpu.memory_space<vmem>>) dst(%dma_wait3A_74 : memref<10112x128xf32, #tpu.memory_space<vmem_shared>>)
      %mul3A_75 = arith.constant 4 : i32
      %mul3A_76 = arith.muli %mul3A_75, %scan3A_15 : i32
      %add3A_77 = arith.constant 2 : i32
      %add3A_78 = arith.addi %mul3A_76, %add3A_77 : i32
      %dma_wait3A_79 = arith.constant 0 : i32
      %dma_wait3A_80 = tpu.memref_slice %arg6[%add3A_78, %dma_wait3A_79] : memref<80x128xi32, #tpu.memory_space<vmem>> -> memref<1x128xi32, #tpu.memory_space<vmem>>
      %dma_wait3A_81 = tpu.memref_squeeze %dma_wait3A_80 : memref<1x128xi32, #tpu.memory_space<vmem>> -> memref<128xi32, #tpu.memory_space<vmem>>
      %dma_wait3A_82 = arith.constant 0 : i32
      %dma_wait3A_83 = arith.constant 0 : i32
      %dma_wait3A_84 = tpu.memref_slice %arg8[%dma_wait3A_82, %dma_wait3A_83] : memref<10112x128xf32, #tpu.memory_space<vmem_shared>> -> memref<10112x128xf32, #tpu.memory_space<vmem_shared>>
      tpu.wait_indirect_dma semaphore(%arg9 : memref<!tpu.dma_semaphore, #tpu.memory_space<semaphore_mem>>) src(%arg7 : memref<128x128xf32, #tpu.memory_space<vmem>>) dst(%dma_wait3A_84 : memref<10112x128xf32, #tpu.memory_space<vmem_shared>>)
      %mul3A_85 = arith.constant 4 : i32
      %mul3A_86 = arith.muli %mul3A_85, %scan3A_15 : i32
      %add3A_87 = arith.constant 3 : i32
      %add3A_88 = arith.addi %mul3A_86, %add3A_87 : i32
      %dma_wait3A_89 = arith.constant 0 : i32
      %dma_wait3A_90 = tpu.memref_slice %arg6[%add3A_88, %dma_wait3A_89] : memref<80x128xi32, #tpu.memory_space<vmem>> -> memref<1x128xi32, #tpu.memory_space<vmem>>
      %dma_wait3A_91 = tpu.memref_squeeze %dma_wait3A_90 : memref<1x128xi32, #tpu.memory_space<vmem>> -> memref<128xi32, #tpu.memory_space<vmem>>
      %dma_wait3A_92 = arith.constant 0 : i32
      %dma_wait3A_93 = arith.constant 0 : i32
      %dma_wait3A_94 = tpu.memref_slice %arg8[%dma_wait3A_92, %dma_wait3A_93] : memref<10112x128xf32, #tpu.memory_space<vmem_shared>> -> memref<10112x128xf32, #tpu.memory_space<vmem_shared>>
      tpu.wait_indirect_dma semaphore(%arg9 : memref<!tpu.dma_semaphore, #tpu.memory_space<semaphore_mem>>) src(%arg7 : memref<128x128xf32, #tpu.memory_space<vmem>>) dst(%dma_wait3A_94 : memref<10112x128xf32, #tpu.memory_space<vmem_shared>>)
      %scan3A_95 = arith.constant 0 : i32
      scf.yield %scan3A_95 : i32
    }
    %scan3A_8 = arith.constant 20 : i32
    %barrier3A_9 = arith.constant 0 : index
    tpu.barrier barrier_id(%barrier3A_9)
    %eq3A_10 = arith.constant 0 : i32
    %eq3A_11 = arith.cmpi eq, %arg1, %eq3A_10 : i32
    %convert_element_type3A_12 = arith.extui %eq3A_11 : i1 to i32
    %cond3A_13 = arith.constant 0 : i32
    %cond3A_14 = arith.cmpi ne, %convert_element_type3A_12, %cond3A_13 : i32
    scf.if %cond3A_14 {
      "tpu.region"() ({
        %run_scoped3A = tpu.sem_alloc : memref<!tpu.dma_semaphore, #tpu.memory_space<semaphore_mem>>
        %dma_start3A = arith.constant 0 : i32
        %dma_start3A_15 = arith.constant 0 : i32
        %dma_start3A_16 = tpu.memref_slice %arg5[%arg0, %dma_start3A, %dma_start3A_15] : memref<2x10112x128xf32, #tpu.memory_space<hbm>> -> memref<1x10112x128xf32, #tpu.memory_space<hbm>>
        %dma_start3A_17 = tpu.memref_squeeze %dma_start3A_16 : memref<1x10112x128xf32, #tpu.memory_space<hbm>> -> memref<10112x128xf32, #tpu.memory_space<hbm>>
        tpu.enqueue_dma source(%arg8 : memref<10112x128xf32, #tpu.memory_space<vmem_shared>>) target(%dma_start3A_17 : memref<10112x128xf32, #tpu.memory_space<hbm>>) target_semaphore(%run_scoped3A : memref<!tpu.dma_semaphore, #tpu.memory_space<semaphore_mem>>)
        %dma_wait3A = arith.constant 0 : i32
        %dma_wait3A_18 = arith.constant 0 : i32
        %dma_wait3A_19 = tpu.memref_slice %arg5[%arg0, %dma_wait3A, %dma_wait3A_18] : memref<2x10112x128xf32, #tpu.memory_space<hbm>> -> memref<1x10112x128xf32, #tpu.memory_space<hbm>>
        %dma_wait3A_20 = tpu.memref_squeeze %dma_wait3A_19 : memref<1x10112x128xf32, #tpu.memory_space<hbm>> -> memref<10112x128xf32, #tpu.memory_space<hbm>>
        tpu.wait_dma2 semaphore(%run_scoped3A : memref<!tpu.dma_semaphore, #tpu.memory_space<semaphore_mem>>) src(%arg8 : memref<10112x128xf32, #tpu.memory_space<vmem_shared>>) dst(%dma_wait3A_20 : memref<10112x128xf32, #tpu.memory_space<hbm>>)
        tpu.yield
      }) : () -> ()
    } else {
    }
    return
  }
}

#map = affine_map<(d0, d1) -> (0, 0)>
#map1 = affine_map<(d0, d1) -> (0, 0, 0)>
module attributes {stable_mosaic.version = 14 : i64} {
  func.func @_sc_scat_body(%arg0: i32, %arg1: i32, %arg2: memref<10000x128xf32, #tpu.memory_space<hbm>>, %arg3: memref<32x80x128xi32, #tpu.memory_space<hbm>>, %arg4: memref<32x80x128xi32, #tpu.memory_space<hbm>>, %arg5: memref<10112x128xf32, #tpu.memory_space<hbm>>, %arg6: memref<2x10112x128xf32, #tpu.memory_space<hbm>>, %arg7: memref<128x128xf32, #tpu.memory_space<vmem>>, %arg8: memref<128x128xf32, #tpu.memory_space<vmem>>, %arg9: memref<40x128xi32, #tpu.memory_space<vmem>>, %arg10: memref<40x128xi32, #tpu.memory_space<vmem>>, %arg11: memref<10112x128xf32, #tpu.memory_space<vmem_shared>>, %arg12: memref<!tpu.dma_semaphore, #tpu.memory_space<semaphore_mem>>, %arg13: memref<!tpu.dma_semaphore, #tpu.memory_space<semaphore_mem>>) attributes {dimension_semantics = [#tpu.dimension_semantics<core_parallel>, #tpu.dimension_semantics<subcore_parallel>], iteration_bounds = array<i64: 2, 16>, scalar_prefetch = 0 : i64, scratch_operands = 7 : i64, tpu.core_type = #tpu.core_type<sc_vector_subcore>, window_params = [{transform_indices = #map}, {transform_indices = #map1}, {transform_indices = #map1}, {transform_indices = #map}, {transform_indices = #map1}]} {
    %mul3A = arith.constant 16 : i32
    %mul3A_0 = arith.muli %arg0, %mul3A : i32
    %add3A = arith.addi %mul3A_0, %arg1 : i32
    %eq3A = arith.constant 0 : i32
    %eq3A_1 = arith.cmpi eq, %arg1, %eq3A : i32
    %convert_element_type3A = arith.extui %eq3A_1 : i1 to i32
    %cond3A = arith.constant 0 : i32
    %cond3A_2 = arith.cmpi ne, %convert_element_type3A, %cond3A : i32
    scf.if %cond3A_2 {
      "tpu.region"() ({
        %run_scoped3A = tpu.sem_alloc : memref<!tpu.dma_semaphore, #tpu.memory_space<semaphore_mem>>
        tpu.enqueue_dma source(%arg5 : memref<10112x128xf32, #tpu.memory_space<hbm>>) target(%arg11 : memref<10112x128xf32, #tpu.memory_space<vmem_shared>>) target_semaphore(%run_scoped3A : memref<!tpu.dma_semaphore, #tpu.memory_space<semaphore_mem>>)
        tpu.wait_dma2 semaphore(%run_scoped3A : memref<!tpu.dma_semaphore, #tpu.memory_space<semaphore_mem>>) src(%arg5 : memref<10112x128xf32, #tpu.memory_space<hbm>>) dst(%arg11 : memref<10112x128xf32, #tpu.memory_space<vmem_shared>>)
        tpu.yield
      }) : () -> ()
    } else {
    }
    %barrier3A = arith.constant 0 : index
    tpu.barrier barrier_id(%barrier3A)
    "tpu.region"() ({
      %run_scoped3A = tpu.sem_alloc : memref<!tpu.dma_semaphore, #tpu.memory_space<semaphore_mem>>
      %dma_start3A_35 = arith.constant 0 : i32
      %dma_start3A_36 = arith.constant 0 : i32
      %dma_start3A_37 = tpu.memref_slice %arg3[%add3A, %dma_start3A_35, %dma_start3A_36] : memref<32x80x128xi32, #tpu.memory_space<hbm>> -> memref<1x40x128xi32, #tpu.memory_space<hbm>>
      %dma_start3A_38 = tpu.memref_squeeze %dma_start3A_37 : memref<1x40x128xi32, #tpu.memory_space<hbm>> -> memref<40x128xi32, #tpu.memory_space<hbm>>
      %dma_start3A_39 = arith.constant 0 : i32
      %dma_start3A_40 = arith.constant 0 : i32
      %dma_start3A_41 = tpu.memref_slice %arg3[%add3A, %dma_start3A_39, %dma_start3A_40] : memref<32x80x128xi32, #tpu.memory_space<hbm>> -> memref<1x40x128xi32, #tpu.memory_space<hbm>>
      %dma_start3A_42 = tpu.memref_squeeze %dma_start3A_41 : memref<1x40x128xi32, #tpu.memory_space<hbm>> -> memref<40x128xi32, #tpu.memory_space<hbm>>
      tpu.enqueue_dma source(%dma_start3A_42 : memref<40x128xi32, #tpu.memory_space<hbm>>) target(%arg9 : memref<40x128xi32, #tpu.memory_space<vmem>>) target_semaphore(%run_scoped3A : memref<!tpu.dma_semaphore, #tpu.memory_space<semaphore_mem>>)
      %dma_wait3A = arith.constant 0 : i32
      %dma_wait3A_43 = arith.constant 0 : i32
      %dma_wait3A_44 = tpu.memref_slice %arg3[%add3A, %dma_wait3A, %dma_wait3A_43] : memref<32x80x128xi32, #tpu.memory_space<hbm>> -> memref<1x40x128xi32, #tpu.memory_space<hbm>>
      %dma_wait3A_45 = tpu.memref_squeeze %dma_wait3A_44 : memref<1x40x128xi32, #tpu.memory_space<hbm>> -> memref<40x128xi32, #tpu.memory_space<hbm>>
      %dma_wait3A_46 = arith.constant 0 : i32
      %dma_wait3A_47 = arith.constant 0 : i32
      %dma_wait3A_48 = tpu.memref_slice %arg3[%add3A, %dma_wait3A_46, %dma_wait3A_47] : memref<32x80x128xi32, #tpu.memory_space<hbm>> -> memref<1x40x128xi32, #tpu.memory_space<hbm>>
      %dma_wait3A_49 = tpu.memref_squeeze %dma_wait3A_48 : memref<1x40x128xi32, #tpu.memory_space<hbm>> -> memref<40x128xi32, #tpu.memory_space<hbm>>
      tpu.wait_dma2 semaphore(%run_scoped3A : memref<!tpu.dma_semaphore, #tpu.memory_space<semaphore_mem>>) src(%dma_wait3A_49 : memref<40x128xi32, #tpu.memory_space<hbm>>) dst(%arg9 : memref<40x128xi32, #tpu.memory_space<vmem>>)
      tpu.yield
    }) : () -> ()
    "tpu.region"() ({
      %run_scoped3A = tpu.sem_alloc : memref<!tpu.dma_semaphore, #tpu.memory_space<semaphore_mem>>
      %dma_start3A_35 = arith.constant 0 : i32
      %dma_start3A_36 = arith.constant 0 : i32
      %dma_start3A_37 = tpu.memref_slice %arg4[%add3A, %dma_start3A_35, %dma_start3A_36] : memref<32x80x128xi32, #tpu.memory_space<hbm>> -> memref<1x40x128xi32, #tpu.memory_space<hbm>>
      %dma_start3A_38 = tpu.memref_squeeze %dma_start3A_37 : memref<1x40x128xi32, #tpu.memory_space<hbm>> -> memref<40x128xi32, #tpu.memory_space<hbm>>
      %dma_start3A_39 = arith.constant 0 : i32
      %dma_start3A_40 = arith.constant 0 : i32
      %dma_start3A_41 = tpu.memref_slice %arg4[%add3A, %dma_start3A_39, %dma_start3A_40] : memref<32x80x128xi32, #tpu.memory_space<hbm>> -> memref<1x40x128xi32, #tpu.memory_space<hbm>>
      %dma_start3A_42 = tpu.memref_squeeze %dma_start3A_41 : memref<1x40x128xi32, #tpu.memory_space<hbm>> -> memref<40x128xi32, #tpu.memory_space<hbm>>
      tpu.enqueue_dma source(%dma_start3A_42 : memref<40x128xi32, #tpu.memory_space<hbm>>) target(%arg10 : memref<40x128xi32, #tpu.memory_space<vmem>>) target_semaphore(%run_scoped3A : memref<!tpu.dma_semaphore, #tpu.memory_space<semaphore_mem>>)
      %dma_wait3A = arith.constant 0 : i32
      %dma_wait3A_43 = arith.constant 0 : i32
      %dma_wait3A_44 = tpu.memref_slice %arg4[%add3A, %dma_wait3A, %dma_wait3A_43] : memref<32x80x128xi32, #tpu.memory_space<hbm>> -> memref<1x40x128xi32, #tpu.memory_space<hbm>>
      %dma_wait3A_45 = tpu.memref_squeeze %dma_wait3A_44 : memref<1x40x128xi32, #tpu.memory_space<hbm>> -> memref<40x128xi32, #tpu.memory_space<hbm>>
      %dma_wait3A_46 = arith.constant 0 : i32
      %dma_wait3A_47 = arith.constant 0 : i32
      %dma_wait3A_48 = tpu.memref_slice %arg4[%add3A, %dma_wait3A_46, %dma_wait3A_47] : memref<32x80x128xi32, #tpu.memory_space<hbm>> -> memref<1x40x128xi32, #tpu.memory_space<hbm>>
      %dma_wait3A_49 = tpu.memref_squeeze %dma_wait3A_48 : memref<1x40x128xi32, #tpu.memory_space<hbm>> -> memref<40x128xi32, #tpu.memory_space<hbm>>
      tpu.wait_dma2 semaphore(%run_scoped3A : memref<!tpu.dma_semaphore, #tpu.memory_space<semaphore_mem>>) src(%dma_wait3A_49 : memref<40x128xi32, #tpu.memory_space<hbm>>) dst(%arg10 : memref<40x128xi32, #tpu.memory_space<vmem>>)
      tpu.yield
    }) : () -> ()
    %dma_start3A = arith.constant 0 : i32
    %dma_start3A_3 = arith.constant 0 : i32
    %dma_start3A_4 = tpu.memref_slice %arg9[%dma_start3A, %dma_start3A_3] : memref<40x128xi32, #tpu.memory_space<vmem>> -> memref<1x128xi32, #tpu.memory_space<vmem>>
    %dma_start3A_5 = tpu.memref_squeeze %dma_start3A_4 : memref<1x128xi32, #tpu.memory_space<vmem>> -> memref<128xi32, #tpu.memory_space<vmem>>
    %dma_start3A_6 = arith.constant 0 : i32
    %dma_start3A_7 = arith.constant 0 : i32
    %dma_start3A_8 = tpu.memref_slice %arg2[%dma_start3A_6, %dma_start3A_7] : memref<10000x128xf32, #tpu.memory_space<hbm>> -> memref<10000x128xf32, #tpu.memory_space<hbm>>
    tpu.enqueue_indirect_dma source(%dma_start3A_8 : memref<10000x128xf32, #tpu.memory_space<hbm>>) target(%arg7 : memref<128x128xf32, #tpu.memory_space<vmem>>) offsets(%dma_start3A_5 : memref<128xi32, #tpu.memory_space<vmem>>) semaphore(%arg12 : memref<!tpu.dma_semaphore, #tpu.memory_space<semaphore_mem>>)
    %scan3A = arith.constant 0 : i32
    %scan3A_9 = arith.constant 0 : i32
    %scan3A_10 = arith.constant 20 : i32
    %scan3A_11 = arith.addi %scan3A_9, %scan3A_10 : i32
    %scan3A_12 = arith.constant 1 : i32
    %scan3A_13 = scf.for %scan3A_35 = %scan3A_9 to %scan3A_11 step %scan3A_12 iter_args(%scan3A_36 = %scan3A) -> (i32)  : i32 {
      %mul3A_37 = arith.constant 2 : i32
      %mul3A_38 = arith.muli %mul3A_37, %scan3A_35 : i32
      %dma_wait3A = arith.constant 0 : i32
      %dma_wait3A_39 = tpu.memref_slice %arg9[%mul3A_38, %dma_wait3A] : memref<40x128xi32, #tpu.memory_space<vmem>> -> memref<1x128xi32, #tpu.memory_space<vmem>>
      %dma_wait3A_40 = tpu.memref_squeeze %dma_wait3A_39 : memref<1x128xi32, #tpu.memory_space<vmem>> -> memref<128xi32, #tpu.memory_space<vmem>>
      %dma_wait3A_41 = arith.constant 0 : i32
      %dma_wait3A_42 = arith.constant 0 : i32
      %dma_wait3A_43 = tpu.memref_slice %arg2[%dma_wait3A_41, %dma_wait3A_42] : memref<10000x128xf32, #tpu.memory_space<hbm>> -> memref<10000x128xf32, #tpu.memory_space<hbm>>
      tpu.wait_indirect_dma semaphore(%arg12 : memref<!tpu.dma_semaphore, #tpu.memory_space<semaphore_mem>>) src(%dma_wait3A_43 : memref<10000x128xf32, #tpu.memory_space<hbm>>) dst(%arg7 : memref<128x128xf32, #tpu.memory_space<vmem>>)
      %mul3A_44 = arith.constant 2 : i32
      %mul3A_45 = arith.muli %mul3A_44, %scan3A_35 : i32
      %add3A_46 = arith.constant 1 : i32
      %add3A_47 = arith.addi %mul3A_45, %add3A_46 : i32
      %dma_start3A_48 = arith.constant 0 : i32
      %dma_start3A_49 = tpu.memref_slice %arg9[%add3A_47, %dma_start3A_48] : memref<40x128xi32, #tpu.memory_space<vmem>> -> memref<1x128xi32, #tpu.memory_space<vmem>>
      %dma_start3A_50 = tpu.memref_squeeze %dma_start3A_49 : memref<1x128xi32, #tpu.memory_space<vmem>> -> memref<128xi32, #tpu.memory_space<vmem>>
      %dma_start3A_51 = arith.constant 0 : i32
      %dma_start3A_52 = arith.constant 0 : i32
      %dma_start3A_53 = tpu.memref_slice %arg2[%dma_start3A_51, %dma_start3A_52] : memref<10000x128xf32, #tpu.memory_space<hbm>> -> memref<10000x128xf32, #tpu.memory_space<hbm>>
      tpu.enqueue_indirect_dma source(%dma_start3A_53 : memref<10000x128xf32, #tpu.memory_space<hbm>>) target(%arg8 : memref<128x128xf32, #tpu.memory_space<vmem>>) offsets(%dma_start3A_50 : memref<128xi32, #tpu.memory_space<vmem>>) semaphore(%arg13 : memref<!tpu.dma_semaphore, #tpu.memory_space<semaphore_mem>>)
      %mul3A_54 = arith.constant 2 : i32
      %mul3A_55 = arith.muli %mul3A_54, %scan3A_35 : i32
      "tpu.region"() ({
        %run_scoped3A = tpu.sem_alloc : memref<!tpu.dma_semaphore, #tpu.memory_space<semaphore_mem>>
        %dma_start3A_75 = arith.constant 0 : i32
        %dma_start3A_76 = tpu.memref_slice %arg10[%mul3A_55, %dma_start3A_75] : memref<40x128xi32, #tpu.memory_space<vmem>> -> memref<1x128xi32, #tpu.memory_space<vmem>>
        %dma_start3A_77 = tpu.memref_squeeze %dma_start3A_76 : memref<1x128xi32, #tpu.memory_space<vmem>> -> memref<128xi32, #tpu.memory_space<vmem>>
        %dma_start3A_78 = arith.constant 0 : i32
        %dma_start3A_79 = arith.constant 0 : i32
        %dma_start3A_80 = tpu.memref_slice %arg11[%dma_start3A_78, %dma_start3A_79] : memref<10112x128xf32, #tpu.memory_space<vmem_shared>> -> memref<10112x128xf32, #tpu.memory_space<vmem_shared>>
        tpu.enqueue_indirect_dma source(%arg7 : memref<128x128xf32, #tpu.memory_space<vmem>>) target(%dma_start3A_80 : memref<10112x128xf32, #tpu.memory_space<vmem_shared>>) offsets(%dma_start3A_77 : memref<128xi32, #tpu.memory_space<vmem>>) semaphore(%run_scoped3A : memref<!tpu.dma_semaphore, #tpu.memory_space<semaphore_mem>>) {add = true}
        %dma_wait3A_81 = arith.constant 0 : i32
        %dma_wait3A_82 = tpu.memref_slice %arg10[%mul3A_55, %dma_wait3A_81] : memref<40x128xi32, #tpu.memory_space<vmem>> -> memref<1x128xi32, #tpu.memory_space<vmem>>
        %dma_wait3A_83 = tpu.memref_squeeze %dma_wait3A_82 : memref<1x128xi32, #tpu.memory_space<vmem>> -> memref<128xi32, #tpu.memory_space<vmem>>
        %dma_wait3A_84 = arith.constant 0 : i32
        %dma_wait3A_85 = arith.constant 0 : i32
        %dma_wait3A_86 = tpu.memref_slice %arg11[%dma_wait3A_84, %dma_wait3A_85] : memref<10112x128xf32, #tpu.memory_space<vmem_shared>> -> memref<10112x128xf32, #tpu.memory_space<vmem_shared>>
        tpu.wait_indirect_dma semaphore(%run_scoped3A : memref<!tpu.dma_semaphore, #tpu.memory_space<semaphore_mem>>) src(%arg7 : memref<128x128xf32, #tpu.memory_space<vmem>>) dst(%dma_wait3A_86 : memref<10112x128xf32, #tpu.memory_space<vmem_shared>>)
        tpu.yield
      }) : () -> ()
      %mul3A_56 = arith.constant 2 : i32
      %mul3A_57 = arith.muli %mul3A_56, %scan3A_35 : i32
      %add3A_58 = arith.constant 1 : i32
      %add3A_59 = arith.addi %mul3A_57, %add3A_58 : i32
      %dma_wait3A_60 = arith.constant 0 : i32
      %dma_wait3A_61 = tpu.memref_slice %arg9[%add3A_59, %dma_wait3A_60] : memref<40x128xi32, #tpu.memory_space<vmem>> -> memref<1x128xi32, #tpu.memory_space<vmem>>
      %dma_wait3A_62 = tpu.memref_squeeze %dma_wait3A_61 : memref<1x128xi32, #tpu.memory_space<vmem>> -> memref<128xi32, #tpu.memory_space<vmem>>
      %dma_wait3A_63 = arith.constant 0 : i32
      %dma_wait3A_64 = arith.constant 0 : i32
      %dma_wait3A_65 = tpu.memref_slice %arg2[%dma_wait3A_63, %dma_wait3A_64] : memref<10000x128xf32, #tpu.memory_space<hbm>> -> memref<10000x128xf32, #tpu.memory_space<hbm>>
      tpu.wait_indirect_dma semaphore(%arg13 : memref<!tpu.dma_semaphore, #tpu.memory_space<semaphore_mem>>) src(%dma_wait3A_65 : memref<10000x128xf32, #tpu.memory_space<hbm>>) dst(%arg8 : memref<128x128xf32, #tpu.memory_space<vmem>>)
      %lt3A = arith.constant 19 : i32
      %lt3A_66 = arith.cmpi slt, %scan3A_35, %lt3A : i32
      %convert_element_type3A_67 = arith.extui %lt3A_66 : i1 to i32
      %cond3A_68 = arith.constant 0 : i32
      %cond3A_69 = arith.cmpi ne, %convert_element_type3A_67, %cond3A_68 : i32
      scf.if %cond3A_69 {
        %mul3A_75 = arith.constant 2 : i32
        %mul3A_76 = arith.muli %mul3A_75, %scan3A_35 : i32
        %add3A_77 = arith.constant 2 : i32
        %add3A_78 = arith.addi %mul3A_76, %add3A_77 : i32
        %dma_start3A_79 = arith.constant 0 : i32
        %dma_start3A_80 = tpu.memref_slice %arg9[%add3A_78, %dma_start3A_79] : memref<40x128xi32, #tpu.memory_space<vmem>> -> memref<1x128xi32, #tpu.memory_space<vmem>>
        %dma_start3A_81 = tpu.memref_squeeze %dma_start3A_80 : memref<1x128xi32, #tpu.memory_space<vmem>> -> memref<128xi32, #tpu.memory_space<vmem>>
        %dma_start3A_82 = arith.constant 0 : i32
        %dma_start3A_83 = arith.constant 0 : i32
        %dma_start3A_84 = tpu.memref_slice %arg2[%dma_start3A_82, %dma_start3A_83] : memref<10000x128xf32, #tpu.memory_space<hbm>> -> memref<10000x128xf32, #tpu.memory_space<hbm>>
        tpu.enqueue_indirect_dma source(%dma_start3A_84 : memref<10000x128xf32, #tpu.memory_space<hbm>>) target(%arg7 : memref<128x128xf32, #tpu.memory_space<vmem>>) offsets(%dma_start3A_81 : memref<128xi32, #tpu.memory_space<vmem>>) semaphore(%arg12 : memref<!tpu.dma_semaphore, #tpu.memory_space<semaphore_mem>>)
      } else {
      }
      %mul3A_70 = arith.constant 2 : i32
      %mul3A_71 = arith.muli %mul3A_70, %scan3A_35 : i32
      %add3A_72 = arith.constant 1 : i32
      %add3A_73 = arith.addi %mul3A_71, %add3A_72 : i32
      "tpu.region"() ({
        %run_scoped3A = tpu.sem_alloc : memref<!tpu.dma_semaphore, #tpu.memory_space<semaphore_mem>>
        %dma_start3A_75 = arith.constant 0 : i32
        %dma_start3A_76 = tpu.memref_slice %arg10[%add3A_73, %dma_start3A_75] : memref<40x128xi32, #tpu.memory_space<vmem>> -> memref<1x128xi32, #tpu.memory_space<vmem>>
        %dma_start3A_77 = tpu.memref_squeeze %dma_start3A_76 : memref<1x128xi32, #tpu.memory_space<vmem>> -> memref<128xi32, #tpu.memory_space<vmem>>
        %dma_start3A_78 = arith.constant 0 : i32
        %dma_start3A_79 = arith.constant 0 : i32
        %dma_start3A_80 = tpu.memref_slice %arg11[%dma_start3A_78, %dma_start3A_79] : memref<10112x128xf32, #tpu.memory_space<vmem_shared>> -> memref<10112x128xf32, #tpu.memory_space<vmem_shared>>
        tpu.enqueue_indirect_dma source(%arg8 : memref<128x128xf32, #tpu.memory_space<vmem>>) target(%dma_start3A_80 : memref<10112x128xf32, #tpu.memory_space<vmem_shared>>) offsets(%dma_start3A_77 : memref<128xi32, #tpu.memory_space<vmem>>) semaphore(%run_scoped3A : memref<!tpu.dma_semaphore, #tpu.memory_space<semaphore_mem>>) {add = true}
        %dma_wait3A_81 = arith.constant 0 : i32
        %dma_wait3A_82 = tpu.memref_slice %arg10[%add3A_73, %dma_wait3A_81] : memref<40x128xi32, #tpu.memory_space<vmem>> -> memref<1x128xi32, #tpu.memory_space<vmem>>
        %dma_wait3A_83 = tpu.memref_squeeze %dma_wait3A_82 : memref<1x128xi32, #tpu.memory_space<vmem>> -> memref<128xi32, #tpu.memory_space<vmem>>
        %dma_wait3A_84 = arith.constant 0 : i32
        %dma_wait3A_85 = arith.constant 0 : i32
        %dma_wait3A_86 = tpu.memref_slice %arg11[%dma_wait3A_84, %dma_wait3A_85] : memref<10112x128xf32, #tpu.memory_space<vmem_shared>> -> memref<10112x128xf32, #tpu.memory_space<vmem_shared>>
        tpu.wait_indirect_dma semaphore(%run_scoped3A : memref<!tpu.dma_semaphore, #tpu.memory_space<semaphore_mem>>) src(%arg8 : memref<128x128xf32, #tpu.memory_space<vmem>>) dst(%dma_wait3A_86 : memref<10112x128xf32, #tpu.memory_space<vmem_shared>>)
        tpu.yield
      }) : () -> ()
      %scan3A_74 = arith.constant 0 : i32
      scf.yield %scan3A_74 : i32
    }
    %scan3A_14 = arith.constant 20 : i32
    "tpu.region"() ({
      %run_scoped3A = tpu.sem_alloc : memref<!tpu.dma_semaphore, #tpu.memory_space<semaphore_mem>>
      %dma_start3A_35 = arith.constant 40 : i32
      %dma_start3A_36 = arith.constant 0 : i32
      %dma_start3A_37 = tpu.memref_slice %arg3[%add3A, %dma_start3A_35, %dma_start3A_36] : memref<32x80x128xi32, #tpu.memory_space<hbm>> -> memref<1x40x128xi32, #tpu.memory_space<hbm>>
      %dma_start3A_38 = tpu.memref_squeeze %dma_start3A_37 : memref<1x40x128xi32, #tpu.memory_space<hbm>> -> memref<40x128xi32, #tpu.memory_space<hbm>>
      %dma_start3A_39 = arith.constant 40 : i32
      %dma_start3A_40 = arith.constant 0 : i32
      %dma_start3A_41 = tpu.memref_slice %arg3[%add3A, %dma_start3A_39, %dma_start3A_40] : memref<32x80x128xi32, #tpu.memory_space<hbm>> -> memref<1x40x128xi32, #tpu.memory_space<hbm>>
      %dma_start3A_42 = tpu.memref_squeeze %dma_start3A_41 : memref<1x40x128xi32, #tpu.memory_space<hbm>> -> memref<40x128xi32, #tpu.memory_space<hbm>>
      tpu.enqueue_dma source(%dma_start3A_42 : memref<40x128xi32, #tpu.memory_space<hbm>>) target(%arg9 : memref<40x128xi32, #tpu.memory_space<vmem>>) target_semaphore(%run_scoped3A : memref<!tpu.dma_semaphore, #tpu.memory_space<semaphore_mem>>)
      %dma_wait3A = arith.constant 40 : i32
      %dma_wait3A_43 = arith.constant 0 : i32
      %dma_wait3A_44 = tpu.memref_slice %arg3[%add3A, %dma_wait3A, %dma_wait3A_43] : memref<32x80x128xi32, #tpu.memory_space<hbm>> -> memref<1x40x128xi32, #tpu.memory_space<hbm>>
      %dma_wait3A_45 = tpu.memref_squeeze %dma_wait3A_44 : memref<1x40x128xi32, #tpu.memory_space<hbm>> -> memref<40x128xi32, #tpu.memory_space<hbm>>
      %dma_wait3A_46 = arith.constant 40 : i32
      %dma_wait3A_47 = arith.constant 0 : i32
      %dma_wait3A_48 = tpu.memref_slice %arg3[%add3A, %dma_wait3A_46, %dma_wait3A_47] : memref<32x80x128xi32, #tpu.memory_space<hbm>> -> memref<1x40x128xi32, #tpu.memory_space<hbm>>
      %dma_wait3A_49 = tpu.memref_squeeze %dma_wait3A_48 : memref<1x40x128xi32, #tpu.memory_space<hbm>> -> memref<40x128xi32, #tpu.memory_space<hbm>>
      tpu.wait_dma2 semaphore(%run_scoped3A : memref<!tpu.dma_semaphore, #tpu.memory_space<semaphore_mem>>) src(%dma_wait3A_49 : memref<40x128xi32, #tpu.memory_space<hbm>>) dst(%arg9 : memref<40x128xi32, #tpu.memory_space<vmem>>)
      tpu.yield
    }) : () -> ()
    "tpu.region"() ({
      %run_scoped3A = tpu.sem_alloc : memref<!tpu.dma_semaphore, #tpu.memory_space<semaphore_mem>>
      %dma_start3A_35 = arith.constant 40 : i32
      %dma_start3A_36 = arith.constant 0 : i32
      %dma_start3A_37 = tpu.memref_slice %arg4[%add3A, %dma_start3A_35, %dma_start3A_36] : memref<32x80x128xi32, #tpu.memory_space<hbm>> -> memref<1x40x128xi32, #tpu.memory_space<hbm>>
      %dma_start3A_38 = tpu.memref_squeeze %dma_start3A_37 : memref<1x40x128xi32, #tpu.memory_space<hbm>> -> memref<40x128xi32, #tpu.memory_space<hbm>>
      %dma_start3A_39 = arith.constant 40 : i32
      %dma_start3A_40 = arith.constant 0 : i32
      %dma_start3A_41 = tpu.memref_slice %arg4[%add3A, %dma_start3A_39, %dma_start3A_40] : memref<32x80x128xi32, #tpu.memory_space<hbm>> -> memref<1x40x128xi32, #tpu.memory_space<hbm>>
      %dma_start3A_42 = tpu.memref_squeeze %dma_start3A_41 : memref<1x40x128xi32, #tpu.memory_space<hbm>> -> memref<40x128xi32, #tpu.memory_space<hbm>>
      tpu.enqueue_dma source(%dma_start3A_42 : memref<40x128xi32, #tpu.memory_space<hbm>>) target(%arg10 : memref<40x128xi32, #tpu.memory_space<vmem>>) target_semaphore(%run_scoped3A : memref<!tpu.dma_semaphore, #tpu.memory_space<semaphore_mem>>)
      %dma_wait3A = arith.constant 40 : i32
      %dma_wait3A_43 = arith.constant 0 : i32
      %dma_wait3A_44 = tpu.memref_slice %arg4[%add3A, %dma_wait3A, %dma_wait3A_43] : memref<32x80x128xi32, #tpu.memory_space<hbm>> -> memref<1x40x128xi32, #tpu.memory_space<hbm>>
      %dma_wait3A_45 = tpu.memref_squeeze %dma_wait3A_44 : memref<1x40x128xi32, #tpu.memory_space<hbm>> -> memref<40x128xi32, #tpu.memory_space<hbm>>
      %dma_wait3A_46 = arith.constant 40 : i32
      %dma_wait3A_47 = arith.constant 0 : i32
      %dma_wait3A_48 = tpu.memref_slice %arg4[%add3A, %dma_wait3A_46, %dma_wait3A_47] : memref<32x80x128xi32, #tpu.memory_space<hbm>> -> memref<1x40x128xi32, #tpu.memory_space<hbm>>
      %dma_wait3A_49 = tpu.memref_squeeze %dma_wait3A_48 : memref<1x40x128xi32, #tpu.memory_space<hbm>> -> memref<40x128xi32, #tpu.memory_space<hbm>>
      tpu.wait_dma2 semaphore(%run_scoped3A : memref<!tpu.dma_semaphore, #tpu.memory_space<semaphore_mem>>) src(%dma_wait3A_49 : memref<40x128xi32, #tpu.memory_space<hbm>>) dst(%arg10 : memref<40x128xi32, #tpu.memory_space<vmem>>)
      tpu.yield
    }) : () -> ()
    %dma_start3A_15 = arith.constant 0 : i32
    %dma_start3A_16 = arith.constant 0 : i32
    %dma_start3A_17 = tpu.memref_slice %arg9[%dma_start3A_15, %dma_start3A_16] : memref<40x128xi32, #tpu.memory_space<vmem>> -> memref<1x128xi32, #tpu.memory_space<vmem>>
    %dma_start3A_18 = tpu.memref_squeeze %dma_start3A_17 : memref<1x128xi32, #tpu.memory_space<vmem>> -> memref<128xi32, #tpu.memory_space<vmem>>
    %dma_start3A_19 = arith.constant 0 : i32
    %dma_start3A_20 = arith.constant 0 : i32
    %dma_start3A_21 = tpu.memref_slice %arg2[%dma_start3A_19, %dma_start3A_20] : memref<10000x128xf32, #tpu.memory_space<hbm>> -> memref<10000x128xf32, #tpu.memory_space<hbm>>
    tpu.enqueue_indirect_dma source(%dma_start3A_21 : memref<10000x128xf32, #tpu.memory_space<hbm>>) target(%arg7 : memref<128x128xf32, #tpu.memory_space<vmem>>) offsets(%dma_start3A_18 : memref<128xi32, #tpu.memory_space<vmem>>) semaphore(%arg12 : memref<!tpu.dma_semaphore, #tpu.memory_space<semaphore_mem>>)
    %scan3A_22 = arith.constant 0 : i32
    %scan3A_23 = arith.constant 0 : i32
    %scan3A_24 = arith.constant 20 : i32
    %scan3A_25 = arith.addi %scan3A_23, %scan3A_24 : i32
    %scan3A_26 = arith.constant 1 : i32
    %scan3A_27 = scf.for %scan3A_35 = %scan3A_23 to %scan3A_25 step %scan3A_26 iter_args(%scan3A_36 = %scan3A_22) -> (i32)  : i32 {
      %mul3A_37 = arith.constant 2 : i32
      %mul3A_38 = arith.muli %mul3A_37, %scan3A_35 : i32
      %dma_wait3A = arith.constant 0 : i32
      %dma_wait3A_39 = tpu.memref_slice %arg9[%mul3A_38, %dma_wait3A] : memref<40x128xi32, #tpu.memory_space<vmem>> -> memref<1x128xi32, #tpu.memory_space<vmem>>
      %dma_wait3A_40 = tpu.memref_squeeze %dma_wait3A_39 : memref<1x128xi32, #tpu.memory_space<vmem>> -> memref<128xi32, #tpu.memory_space<vmem>>
      %dma_wait3A_41 = arith.constant 0 : i32
      %dma_wait3A_42 = arith.constant 0 : i32
      %dma_wait3A_43 = tpu.memref_slice %arg2[%dma_wait3A_41, %dma_wait3A_42] : memref<10000x128xf32, #tpu.memory_space<hbm>> -> memref<10000x128xf32, #tpu.memory_space<hbm>>
      tpu.wait_indirect_dma semaphore(%arg12 : memref<!tpu.dma_semaphore, #tpu.memory_space<semaphore_mem>>) src(%dma_wait3A_43 : memref<10000x128xf32, #tpu.memory_space<hbm>>) dst(%arg7 : memref<128x128xf32, #tpu.memory_space<vmem>>)
      %mul3A_44 = arith.constant 2 : i32
      %mul3A_45 = arith.muli %mul3A_44, %scan3A_35 : i32
      %add3A_46 = arith.constant 1 : i32
      %add3A_47 = arith.addi %mul3A_45, %add3A_46 : i32
      %dma_start3A_48 = arith.constant 0 : i32
      %dma_start3A_49 = tpu.memref_slice %arg9[%add3A_47, %dma_start3A_48] : memref<40x128xi32, #tpu.memory_space<vmem>> -> memref<1x128xi32, #tpu.memory_space<vmem>>
      %dma_start3A_50 = tpu.memref_squeeze %dma_start3A_49 : memref<1x128xi32, #tpu.memory_space<vmem>> -> memref<128xi32, #tpu.memory_space<vmem>>
      %dma_start3A_51 = arith.constant 0 : i32
      %dma_start3A_52 = arith.constant 0 : i32
      %dma_start3A_53 = tpu.memref_slice %arg2[%dma_start3A_51, %dma_start3A_52] : memref<10000x128xf32, #tpu.memory_space<hbm>> -> memref<10000x128xf32, #tpu.memory_space<hbm>>
      tpu.enqueue_indirect_dma source(%dma_start3A_53 : memref<10000x128xf32, #tpu.memory_space<hbm>>) target(%arg8 : memref<128x128xf32, #tpu.memory_space<vmem>>) offsets(%dma_start3A_50 : memref<128xi32, #tpu.memory_space<vmem>>) semaphore(%arg13 : memref<!tpu.dma_semaphore, #tpu.memory_space<semaphore_mem>>)
      %mul3A_54 = arith.constant 2 : i32
      %mul3A_55 = arith.muli %mul3A_54, %scan3A_35 : i32
      "tpu.region"() ({
        %run_scoped3A = tpu.sem_alloc : memref<!tpu.dma_semaphore, #tpu.memory_space<semaphore_mem>>
        %dma_start3A_75 = arith.constant 0 : i32
        %dma_start3A_76 = tpu.memref_slice %arg10[%mul3A_55, %dma_start3A_75] : memref<40x128xi32, #tpu.memory_space<vmem>> -> memref<1x128xi32, #tpu.memory_space<vmem>>
        %dma_start3A_77 = tpu.memref_squeeze %dma_start3A_76 : memref<1x128xi32, #tpu.memory_space<vmem>> -> memref<128xi32, #tpu.memory_space<vmem>>
        %dma_start3A_78 = arith.constant 0 : i32
        %dma_start3A_79 = arith.constant 0 : i32
        %dma_start3A_80 = tpu.memref_slice %arg11[%dma_start3A_78, %dma_start3A_79] : memref<10112x128xf32, #tpu.memory_space<vmem_shared>> -> memref<10112x128xf32, #tpu.memory_space<vmem_shared>>
        tpu.enqueue_indirect_dma source(%arg7 : memref<128x128xf32, #tpu.memory_space<vmem>>) target(%dma_start3A_80 : memref<10112x128xf32, #tpu.memory_space<vmem_shared>>) offsets(%dma_start3A_77 : memref<128xi32, #tpu.memory_space<vmem>>) semaphore(%run_scoped3A : memref<!tpu.dma_semaphore, #tpu.memory_space<semaphore_mem>>) {add = true}
        %dma_wait3A_81 = arith.constant 0 : i32
        %dma_wait3A_82 = tpu.memref_slice %arg10[%mul3A_55, %dma_wait3A_81] : memref<40x128xi32, #tpu.memory_space<vmem>> -> memref<1x128xi32, #tpu.memory_space<vmem>>
        %dma_wait3A_83 = tpu.memref_squeeze %dma_wait3A_82 : memref<1x128xi32, #tpu.memory_space<vmem>> -> memref<128xi32, #tpu.memory_space<vmem>>
        %dma_wait3A_84 = arith.constant 0 : i32
        %dma_wait3A_85 = arith.constant 0 : i32
        %dma_wait3A_86 = tpu.memref_slice %arg11[%dma_wait3A_84, %dma_wait3A_85] : memref<10112x128xf32, #tpu.memory_space<vmem_shared>> -> memref<10112x128xf32, #tpu.memory_space<vmem_shared>>
        tpu.wait_indirect_dma semaphore(%run_scoped3A : memref<!tpu.dma_semaphore, #tpu.memory_space<semaphore_mem>>) src(%arg7 : memref<128x128xf32, #tpu.memory_space<vmem>>) dst(%dma_wait3A_86 : memref<10112x128xf32, #tpu.memory_space<vmem_shared>>)
        tpu.yield
      }) : () -> ()
      %mul3A_56 = arith.constant 2 : i32
      %mul3A_57 = arith.muli %mul3A_56, %scan3A_35 : i32
      %add3A_58 = arith.constant 1 : i32
      %add3A_59 = arith.addi %mul3A_57, %add3A_58 : i32
      %dma_wait3A_60 = arith.constant 0 : i32
      %dma_wait3A_61 = tpu.memref_slice %arg9[%add3A_59, %dma_wait3A_60] : memref<40x128xi32, #tpu.memory_space<vmem>> -> memref<1x128xi32, #tpu.memory_space<vmem>>
      %dma_wait3A_62 = tpu.memref_squeeze %dma_wait3A_61 : memref<1x128xi32, #tpu.memory_space<vmem>> -> memref<128xi32, #tpu.memory_space<vmem>>
      %dma_wait3A_63 = arith.constant 0 : i32
      %dma_wait3A_64 = arith.constant 0 : i32
      %dma_wait3A_65 = tpu.memref_slice %arg2[%dma_wait3A_63, %dma_wait3A_64] : memref<10000x128xf32, #tpu.memory_space<hbm>> -> memref<10000x128xf32, #tpu.memory_space<hbm>>
      tpu.wait_indirect_dma semaphore(%arg13 : memref<!tpu.dma_semaphore, #tpu.memory_space<semaphore_mem>>) src(%dma_wait3A_65 : memref<10000x128xf32, #tpu.memory_space<hbm>>) dst(%arg8 : memref<128x128xf32, #tpu.memory_space<vmem>>)
      %lt3A = arith.constant 19 : i32
      %lt3A_66 = arith.cmpi slt, %scan3A_35, %lt3A : i32
      %convert_element_type3A_67 = arith.extui %lt3A_66 : i1 to i32
      %cond3A_68 = arith.constant 0 : i32
      %cond3A_69 = arith.cmpi ne, %convert_element_type3A_67, %cond3A_68 : i32
      scf.if %cond3A_69 {
        %mul3A_75 = arith.constant 2 : i32
        %mul3A_76 = arith.muli %mul3A_75, %scan3A_35 : i32
        %add3A_77 = arith.constant 2 : i32
        %add3A_78 = arith.addi %mul3A_76, %add3A_77 : i32
        %dma_start3A_79 = arith.constant 0 : i32
        %dma_start3A_80 = tpu.memref_slice %arg9[%add3A_78, %dma_start3A_79] : memref<40x128xi32, #tpu.memory_space<vmem>> -> memref<1x128xi32, #tpu.memory_space<vmem>>
        %dma_start3A_81 = tpu.memref_squeeze %dma_start3A_80 : memref<1x128xi32, #tpu.memory_space<vmem>> -> memref<128xi32, #tpu.memory_space<vmem>>
        %dma_start3A_82 = arith.constant 0 : i32
        %dma_start3A_83 = arith.constant 0 : i32
        %dma_start3A_84 = tpu.memref_slice %arg2[%dma_start3A_82, %dma_start3A_83] : memref<10000x128xf32, #tpu.memory_space<hbm>> -> memref<10000x128xf32, #tpu.memory_space<hbm>>
        tpu.enqueue_indirect_dma source(%dma_start3A_84 : memref<10000x128xf32, #tpu.memory_space<hbm>>) target(%arg7 : memref<128x128xf32, #tpu.memory_space<vmem>>) offsets(%dma_start3A_81 : memref<128xi32, #tpu.memory_space<vmem>>) semaphore(%arg12 : memref<!tpu.dma_semaphore, #tpu.memory_space<semaphore_mem>>)
      } else {
      }
      %mul3A_70 = arith.constant 2 : i32
      %mul3A_71 = arith.muli %mul3A_70, %scan3A_35 : i32
      %add3A_72 = arith.constant 1 : i32
      %add3A_73 = arith.addi %mul3A_71, %add3A_72 : i32
      "tpu.region"() ({
        %run_scoped3A = tpu.sem_alloc : memref<!tpu.dma_semaphore, #tpu.memory_space<semaphore_mem>>
        %dma_start3A_75 = arith.constant 0 : i32
        %dma_start3A_76 = tpu.memref_slice %arg10[%add3A_73, %dma_start3A_75] : memref<40x128xi32, #tpu.memory_space<vmem>> -> memref<1x128xi32, #tpu.memory_space<vmem>>
        %dma_start3A_77 = tpu.memref_squeeze %dma_start3A_76 : memref<1x128xi32, #tpu.memory_space<vmem>> -> memref<128xi32, #tpu.memory_space<vmem>>
        %dma_start3A_78 = arith.constant 0 : i32
        %dma_start3A_79 = arith.constant 0 : i32
        %dma_start3A_80 = tpu.memref_slice %arg11[%dma_start3A_78, %dma_start3A_79] : memref<10112x128xf32, #tpu.memory_space<vmem_shared>> -> memref<10112x128xf32, #tpu.memory_space<vmem_shared>>
        tpu.enqueue_indirect_dma source(%arg8 : memref<128x128xf32, #tpu.memory_space<vmem>>) target(%dma_start3A_80 : memref<10112x128xf32, #tpu.memory_space<vmem_shared>>) offsets(%dma_start3A_77 : memref<128xi32, #tpu.memory_space<vmem>>) semaphore(%run_scoped3A : memref<!tpu.dma_semaphore, #tpu.memory_space<semaphore_mem>>) {add = true}
        %dma_wait3A_81 = arith.constant 0 : i32
        %dma_wait3A_82 = tpu.memref_slice %arg10[%add3A_73, %dma_wait3A_81] : memref<40x128xi32, #tpu.memory_space<vmem>> -> memref<1x128xi32, #tpu.memory_space<vmem>>
        %dma_wait3A_83 = tpu.memref_squeeze %dma_wait3A_82 : memref<1x128xi32, #tpu.memory_space<vmem>> -> memref<128xi32, #tpu.memory_space<vmem>>
        %dma_wait3A_84 = arith.constant 0 : i32
        %dma_wait3A_85 = arith.constant 0 : i32
        %dma_wait3A_86 = tpu.memref_slice %arg11[%dma_wait3A_84, %dma_wait3A_85] : memref<10112x128xf32, #tpu.memory_space<vmem_shared>> -> memref<10112x128xf32, #tpu.memory_space<vmem_shared>>
        tpu.wait_indirect_dma semaphore(%run_scoped3A : memref<!tpu.dma_semaphore, #tpu.memory_space<semaphore_mem>>) src(%arg8 : memref<128x128xf32, #tpu.memory_space<vmem>>) dst(%dma_wait3A_86 : memref<10112x128xf32, #tpu.memory_space<vmem_shared>>)
        tpu.yield
      }) : () -> ()
      %scan3A_74 = arith.constant 0 : i32
      scf.yield %scan3A_74 : i32
    }
    %scan3A_28 = arith.constant 20 : i32
    %barrier3A_29 = arith.constant 0 : index
    tpu.barrier barrier_id(%barrier3A_29)
    %eq3A_30 = arith.constant 0 : i32
    %eq3A_31 = arith.cmpi eq, %arg1, %eq3A_30 : i32
    %convert_element_type3A_32 = arith.extui %eq3A_31 : i1 to i32
    %cond3A_33 = arith.constant 0 : i32
    %cond3A_34 = arith.cmpi ne, %convert_element_type3A_32, %cond3A_33 : i32
    scf.if %cond3A_34 {
      "tpu.region"() ({
        %run_scoped3A = tpu.sem_alloc : memref<!tpu.dma_semaphore, #tpu.memory_space<semaphore_mem>>
        %dma_start3A_35 = arith.constant 0 : i32
        %dma_start3A_36 = arith.constant 0 : i32
        %dma_start3A_37 = tpu.memref_slice %arg6[%arg0, %dma_start3A_35, %dma_start3A_36] : memref<2x10112x128xf32, #tpu.memory_space<hbm>> -> memref<1x10112x128xf32, #tpu.memory_space<hbm>>
        %dma_start3A_38 = tpu.memref_squeeze %dma_start3A_37 : memref<1x10112x128xf32, #tpu.memory_space<hbm>> -> memref<10112x128xf32, #tpu.memory_space<hbm>>
        tpu.enqueue_dma source(%arg11 : memref<10112x128xf32, #tpu.memory_space<vmem_shared>>) target(%dma_start3A_38 : memref<10112x128xf32, #tpu.memory_space<hbm>>) target_semaphore(%run_scoped3A : memref<!tpu.dma_semaphore, #tpu.memory_space<semaphore_mem>>)
        %dma_wait3A = arith.constant 0 : i32
        %dma_wait3A_39 = arith.constant 0 : i32
        %dma_wait3A_40 = tpu.memref_slice %arg6[%arg0, %dma_wait3A, %dma_wait3A_39] : memref<2x10112x128xf32, #tpu.memory_space<hbm>> -> memref<1x10112x128xf32, #tpu.memory_space<hbm>>
        %dma_wait3A_41 = tpu.memref_squeeze %dma_wait3A_40 : memref<1x10112x128xf32, #tpu.memory_space<hbm>> -> memref<10112x128xf32, #tpu.memory_space<hbm>>
        tpu.wait_dma2 semaphore(%run_scoped3A : memref<!tpu.dma_semaphore, #tpu.memory_space<semaphore_mem>>) src(%arg11 : memref<10112x128xf32, #tpu.memory_space<vmem_shared>>) dst(%dma_wait3A_41 : memref<10112x128xf32, #tpu.memory_space<hbm>>)
        tpu.yield
      }) : () -> ()
    } else {
    }
    return
  }
}

module attributes {stable_mosaic.version = 14 : i64} {
  func.func @_tc_a_body(%arg0: i32, %arg1: memref<1000x1xi32, #tpu.memory_space<vmem>>, %arg2: memref<128x128xf32, #tpu.memory_space<vmem>>, %arg3: memref<128x128xf32, #tpu.memory_space<vmem>>, %arg4: memref<2x1000x128xf32, #tpu.memory_space<vmem>>, %arg5: memref<1000x128xf32, #tpu.memory_space<vmem>>, %arg6: memref<1000x1xf32, #tpu.memory_space<vmem>>) attributes {dimension_semantics = [#tpu.dimension_semantics<arbitrary>], iteration_bounds = array<i64: 10>, scalar_prefetch = 0 : i64, scratch_operands = 0 : i64, tpu.core_type = #tpu.core_type<tc>, window_params = [{transform_indices = @transform_0, window_bounds = array<i64: 1000, 1>}, {pipeline_mode = #tpu.pipeline_mode<synchronous>, transform_indices = @transform_1, window_bounds = array<i64: 128, 128>}, {pipeline_mode = #tpu.pipeline_mode<synchronous>, transform_indices = @transform_2, window_bounds = array<i64: 128, 128>}, {transform_indices = @transform_3, window_bounds = array<i64: 2, 1000, 128>}, {transform_indices = @transform_4, window_bounds = array<i64: 1000, 128>}, {transform_indices = @transform_5, window_bounds = array<i64: 1000, 1>}]} {
    %get3A = arith.constant 0 : index
    %get3A_0 = arith.constant 0 : index
    %get3A_1 = vector.load %arg1[%get3A, %get3A_0] : memref<1000x1xi32, #tpu.memory_space<vmem>>, vector<1000x1xi32>
    %iota3A = tpu.iota {dimensions = array<i32: 1>} : vector<1000x128xi32>
    %eq3A = vector.broadcast %get3A_1 : vector<1000x1xi32> to vector<1000x128xi32>
    %eq3A_2 = arith.cmpi eq, %eq3A, %iota3A : vector<1000x128xi32>
    %convert_element_type3A = arith.extui %eq3A_2 : vector<1000x128xi1> to vector<1000x128xi32>
    %convert_element_type3A_3 = arith.sitofp %convert_element_type3A : vector<1000x128xi32> to vector<1000x128xf32>
    %get3A_4 = arith.constant 0 : index
    %get3A_5 = arith.constant 0 : index
    %get3A_6 = vector.load %arg2[%get3A_4, %get3A_5] : memref<128x128xf32, #tpu.memory_space<vmem>>, vector<128x128xf32>
    %dot_general3A = arith.constant dense<0.000000e+00> : vector<1000x128xf32>
    %dot_general3A_7 = tpu.matmul %convert_element_type3A_3, %get3A_6, %dot_general3A {dimension_numbers = #tpu.dot_dimension_numbers<[1], [0], [0], [1], [0, 0, 1, 1], [], []>, transpose_lhs_hint = false} : vector<1000x128xf32>, vector<128x128xf32>, vector<1000x128xf32> -> vector<1000x128xf32>
    %get3A_8 = arith.constant 0 : index
    %get3A_9 = arith.constant 0 : index
    %get3A_10 = vector.load %arg3[%get3A_8, %get3A_9] : memref<128x128xf32, #tpu.memory_space<vmem>>, vector<128x128xf32>
    %dot_general3A_11 = arith.constant dense<0.000000e+00> : vector<1000x128xf32>
    %dot_general3A_12 = tpu.matmul %dot_general3A_7, %get3A_10, %dot_general3A_11 {dimension_numbers = #tpu.dot_dimension_numbers<[1], [0], [0], [1], [0, 0, 1, 1], [], []>, transpose_lhs_hint = false} : vector<1000x128xf32>, vector<128x128xf32>, vector<1000x128xf32> -> vector<1000x128xf32>
    %get3A_13 = arith.constant 0 : index
    %get3A_14 = arith.constant 0 : index
    %get3A_15 = arith.constant 0 : index
    %get3A_16 = vector.load %arg4[%get3A_13, %get3A_14, %get3A_15] : memref<2x1000x128xf32, #tpu.memory_space<vmem>>, vector<1x1000x1xf32>
    %get3A_17 = vector.shape_cast %get3A_16 : vector<1x1000x1xf32> to vector<1000x1xf32>
    %get3A_18 = arith.constant 1 : index
    %get3A_19 = arith.constant 0 : index
    %get3A_20 = arith.constant 0 : index
    %get3A_21 = vector.load %arg4[%get3A_18, %get3A_19, %get3A_20] : memref<2x1000x128xf32, #tpu.memory_space<vmem>>, vector<1x1000x1xf32>
    %get3A_22 = vector.shape_cast %get3A_21 : vector<1x1000x1xf32> to vector<1000x1xf32>
    %add3A = arith.addf %get3A_17, %get3A_22 : vector<1000x1xf32>
    %add3A_23 = arith.constant 1.000000e+00 : f32
    %add3A_24 = vector.broadcast %add3A_23 : f32 to vector<1000x1xf32>
    %add3A_25 = arith.addf %add3A, %add3A_24 : vector<1000x1xf32>
    %rsqrt3A = math.rsqrt %add3A_25 : vector<1000x1xf32>
    %swap3A = arith.constant 0 : index
    %swap3A_26 = arith.constant 0 : index
    %swap3A_27 = vector.load %arg6[%swap3A, %swap3A_26] : memref<1000x1xf32, #tpu.memory_space<vmem>>, vector<1000x1xf32>
    tpu.vector_store %arg6[%swap3A, %swap3A_26], %rsqrt3A {strides = array<i32>} : memref<1000x1xf32, #tpu.memory_space<vmem>>, vector<1000x1xf32>,
    %mul3A = vector.broadcast %rsqrt3A : vector<1000x1xf32> to vector<1000x128xf32>
    %mul3A_28 = arith.mulf %dot_general3A_12, %mul3A : vector<1000x128xf32>
    %swap3A_29 = arith.constant 0 : index
    %swap3A_30 = arith.constant 0 : index
    %swap3A_31 = vector.load %arg5[%swap3A_29, %swap3A_30] : memref<1000x128xf32, #tpu.memory_space<vmem>>, vector<1000x128xf32>
    tpu.vector_store %arg5[%swap3A_29, %swap3A_30], %mul3A_28 {strides = array<i32>} : memref<1000x128xf32, #tpu.memory_space<vmem>>, vector<1000x128xf32>,
    return
  }
  func.func @transform_0(%arg0: i32) -> (i32, i32) {
    %c0_i32 = arith.constant 0 : i32
    %c0_i32_0 = arith.constant 0 : i32
    return %arg0, %c0_i32 : i32, i32
  }
  func.func @transform_1(%arg0: i32) -> (i32, i32) {
    %c0_i32 = arith.constant 0 : i32
    %c0_i32_0 = arith.constant 0 : i32
    %c0_i32_1 = arith.constant 0 : i32
    return %c0_i32, %c0_i32_0 : i32, i32
  }
  func.func @transform_2(%arg0: i32) -> (i32, i32) {
    %c0_i32 = arith.constant 0 : i32
    %c0_i32_0 = arith.constant 0 : i32
    %c0_i32_1 = arith.constant 0 : i32
    return %c0_i32, %c0_i32_0 : i32, i32
  }
  func.func @transform_3(%arg0: i32) -> (i32, i32, i32) {
    %c0_i32 = arith.constant 0 : i32
    %c0_i32_0 = arith.constant 0 : i32
    %c0_i32_1 = arith.constant 0 : i32
    return %c0_i32, %arg0, %c0_i32_0 : i32, i32, i32
  }
  func.func @transform_4(%arg0: i32) -> (i32, i32) {
    %c0_i32 = arith.constant 0 : i32
    %c0_i32_0 = arith.constant 0 : i32
    return %arg0, %c0_i32 : i32, i32
  }
  func.func @transform_5(%arg0: i32) -> (i32, i32) {
    %c0_i32 = arith.constant 0 : i32
    %c0_i32_0 = arith.constant 0 : i32
    return %arg0, %c0_i32 : i32, i32
  }
}

module attributes {stable_mosaic.version = 14 : i64} {
  func.func @_tc_s_body(%arg0: i32, %arg1: memref<2x1000x128xf32, #tpu.memory_space<vmem>>, %arg2: memref<1000x128xf32, #tpu.memory_space<vmem>>, %arg3: memref<1000x1xf32, #tpu.memory_space<vmem>>, %arg4: memref<1x128xf32, #tpu.memory_space<vmem>>, %arg5: memref<1000x128xf32, #tpu.memory_space<vmem>>, %arg6: memref<8x128xf32, #tpu.memory_space<vmem>>) attributes {dimension_semantics = [#tpu.dimension_semantics<arbitrary>], iteration_bounds = array<i64: 10>, scalar_prefetch = 0 : i64, scratch_operands = 0 : i64, tpu.core_type = #tpu.core_type<tc>, window_params = [{transform_indices = @transform_0, window_bounds = array<i64: 2, 1000, 128>}, {transform_indices = @transform_1, window_bounds = array<i64: 1000, 128>}, {transform_indices = @transform_2, window_bounds = array<i64: 1000, 1>}, {pipeline_mode = #tpu.pipeline_mode<synchronous>, transform_indices = @transform_3, window_bounds = array<i64: 1, 128>}, {transform_indices = @transform_4, window_bounds = array<i64: 1000, 128>}, {pipeline_mode = #tpu.pipeline_mode<synchronous>, transform_indices = @transform_5, window_bounds = array<i64: 8, 128>}]} {
    %get3A = arith.constant 0 : index
    %get3A_0 = arith.constant 0 : index
    %get3A_1 = arith.constant 0 : index
    %get3A_2 = vector.load %arg1[%get3A, %get3A_0, %get3A_1] : memref<2x1000x128xf32, #tpu.memory_space<vmem>>, vector<1x1000x128xf32>
    %get3A_3 = vector.shape_cast %get3A_2 : vector<1x1000x128xf32> to vector<1000x128xf32>
    %get3A_4 = arith.constant 1 : index
    %get3A_5 = arith.constant 0 : index
    %get3A_6 = arith.constant 0 : index
    %get3A_7 = vector.load %arg1[%get3A_4, %get3A_5, %get3A_6] : memref<2x1000x128xf32, #tpu.memory_space<vmem>>, vector<1x1000x128xf32>
    %get3A_8 = vector.shape_cast %get3A_7 : vector<1x1000x128xf32> to vector<1000x128xf32>
    %add3A = arith.addf %get3A_3, %get3A_8 : vector<1000x128xf32>
    %get3A_9 = arith.constant 0 : index
    %get3A_10 = arith.constant 0 : index
    %get3A_11 = vector.load %arg2[%get3A_9, %get3A_10] : memref<1000x128xf32, #tpu.memory_space<vmem>>, vector<1000x128xf32>
    %add3A_12 = arith.addf %add3A, %get3A_11 : vector<1000x128xf32>
    %get3A_13 = arith.constant 0 : index
    %get3A_14 = arith.constant 0 : index
    %get3A_15 = vector.load %arg3[%get3A_13, %get3A_14] : memref<1000x1xf32, #tpu.memory_space<vmem>>, vector<1000x1xf32>
    %mul3A = vector.broadcast %get3A_15 : vector<1000x1xf32> to vector<1000x128xf32>
    %mul3A_16 = arith.mulf %add3A_12, %mul3A : vector<1000x128xf32>
    %get3A_17 = arith.constant 0 : index
    %get3A_18 = arith.constant 0 : index
    %get3A_19 = vector.load %arg4[%get3A_17, %get3A_18] : memref<1x128xf32, #tpu.memory_space<vmem>>, vector<1x128xf32>
    %add3A_20 = vector.broadcast %get3A_19 : vector<1x128xf32> to vector<1000x128xf32>
    %add3A_21 = arith.addf %mul3A_16, %add3A_20 : vector<1000x128xf32>
    %swap3A = arith.constant 0 : index
    %swap3A_22 = arith.constant 0 : index
    %swap3A_23 = vector.load %arg5[%swap3A, %swap3A_22] : memref<1000x128xf32, #tpu.memory_space<vmem>>, vector<1000x128xf32>
    tpu.vector_store %arg5[%swap3A, %swap3A_22], %add3A_21 {strides = array<i32>} : memref<1000x128xf32, #tpu.memory_space<vmem>>, vector<1000x128xf32>,
    %eq3A = arith.constant 0 : i32
    %eq3A_24 = arith.cmpi eq, %arg0, %eq3A : i32
    %convert_element_type3A = arith.extui %eq3A_24 : i1 to i32
    %cond3A = arith.constant 0 : i32
    %cond3A_25 = arith.cmpi ne, %convert_element_type3A, %cond3A : i32
    scf.if %cond3A_25 {
      %broadcast_in_dim3A_45 = arith.constant 0.000000e+00 : f32
      %broadcast_in_dim3A_46 = vector.broadcast %broadcast_in_dim3A_45 : f32 to vector<8x128xf32>
      %swap3A_47 = arith.constant 0 : index
      %swap3A_48 = arith.constant 0 : index
      %swap3A_49 = vector.load %arg6[%swap3A_47, %swap3A_48] : memref<8x128xf32, #tpu.memory_space<vmem>>, vector<8x128xf32>
      tpu.vector_store %arg6[%swap3A_47, %swap3A_48], %broadcast_in_dim3A_46 {strides = array<i32>} : memref<8x128xf32, #tpu.memory_space<vmem>>, vector<8x128xf32>,
    } else {
    }
    %get3A_26 = arith.constant 0 : index
    %get3A_27 = arith.constant 0 : index
    %get3A_28 = vector.load %arg6[%get3A_26, %get3A_27] : memref<8x128xf32, #tpu.memory_space<vmem>>, vector<1x128xf32>
    %reduce_sum3A = arith.constant dense<0.000000e+00> : vector<128xf32>
    %reduce_sum3A_29 = vector.multi_reduction <add>, %add3A_21, %reduce_sum3A [0] : vector<1000x128xf32> to vector<128xf32>
    %broadcast_in_dim3A = vector.shape_cast %reduce_sum3A_29 : vector<128xf32> to vector<1x128xf32>
    %add3A_30 = arith.addf %get3A_28, %broadcast_in_dim3A : vector<1x128xf32>
    %swap3A_31 = arith.constant 0 : index
    %swap3A_32 = arith.constant 0 : index
    %swap3A_33 = vector.load %arg6[%swap3A_31, %swap3A_32] : memref<8x128xf32, #tpu.memory_space<vmem>>, vector<1x128xf32>
    tpu.vector_store %arg6[%swap3A_31, %swap3A_32], %add3A_30 {strides = array<i32>} : memref<8x128xf32, #tpu.memory_space<vmem>>, vector<1x128xf32>,
    %get3A_34 = arith.constant 1 : index
    %get3A_35 = arith.constant 0 : index
    %get3A_36 = vector.load %arg6[%get3A_34, %get3A_35] : memref<8x128xf32, #tpu.memory_space<vmem>>, vector<1x128xf32>
    %mul3A_37 = arith.mulf %add3A_21, %add3A_21 : vector<1000x128xf32>
    %reduce_sum3A_38 = arith.constant dense<0.000000e+00> : vector<128xf32>
    %reduce_sum3A_39 = vector.multi_reduction <add>, %mul3A_37, %reduce_sum3A_38 [0] : vector<1000x128xf32> to vector<128xf32>
    %broadcast_in_dim3A_40 = vector.shape_cast %reduce_sum3A_39 : vector<128xf32> to vector<1x128xf32>
    %add3A_41 = arith.addf %get3A_36, %broadcast_in_dim3A_40 : vector<1x128xf32>
    %swap3A_42 = arith.constant 1 : index
    %swap3A_43 = arith.constant 0 : index
    %swap3A_44 = vector.load %arg6[%swap3A_42, %swap3A_43] : memref<8x128xf32, #tpu.memory_space<vmem>>, vector<1x128xf32>
    tpu.vector_store %arg6[%swap3A_42, %swap3A_43], %add3A_41 {strides = array<i32>} : memref<8x128xf32, #tpu.memory_space<vmem>>, vector<1x128xf32>,
    return
  }
  func.func @transform_0(%arg0: i32) -> (i32, i32, i32) {
    %c0_i32 = arith.constant 0 : i32
    %c0_i32_0 = arith.constant 0 : i32
    %c0_i32_1 = arith.constant 0 : i32
    return %c0_i32, %arg0, %c0_i32_0 : i32, i32, i32
  }
  func.func @transform_1(%arg0: i32) -> (i32, i32) {
    %c0_i32 = arith.constant 0 : i32
    %c0_i32_0 = arith.constant 0 : i32
    return %arg0, %c0_i32 : i32, i32
  }
  func.func @transform_2(%arg0: i32) -> (i32, i32) {
    %c0_i32 = arith.constant 0 : i32
    %c0_i32_0 = arith.constant 0 : i32
    return %arg0, %c0_i32 : i32, i32
  }
  func.func @transform_3(%arg0: i32) -> (i32, i32) {
    %c0_i32 = arith.constant 0 : i32
    %c0_i32_0 = arith.constant 0 : i32
    %c0_i32_1 = arith.constant 0 : i32
    return %c0_i32, %c0_i32_0 : i32, i32
  }
  func.func @transform_4(%arg0: i32) -> (i32, i32) {
    %c0_i32 = arith.constant 0 : i32
    %c0_i32_0 = arith.constant 0 : i32
    return %arg0, %c0_i32 : i32, i32
  }
  func.func @transform_5(%arg0: i32) -> (i32, i32) {
    %c0_i32 = arith.constant 0 : i32
    %c0_i32_0 = arith.constant 0 : i32
    %c0_i32_1 = arith.constant 0 : i32
    return %c0_i32, %c0_i32_0 : i32, i32
  }
}

module attributes {stable_mosaic.version = 14 : i64} {
  func.func @_tc_m_body(%arg0: i32, %arg1: memref<1000x128xf32, #tpu.memory_space<vmem>>, %arg2: memref<8x128xf32, #tpu.memory_space<vmem>>, %arg3: memref<1x128xf32, #tpu.memory_space<vmem>>, %arg4: memref<1x128xf32, #tpu.memory_space<vmem>>, %arg5: memref<1000x1xf32, #tpu.memory_space<vmem>>, %arg6: memref<128x128xf32, #tpu.memory_space<vmem>>, %arg7: memref<1000x128xf32, #tpu.memory_space<vmem>>) attributes {dimension_semantics = [#tpu.dimension_semantics<arbitrary>], iteration_bounds = array<i64: 10>, scalar_prefetch = 0 : i64, scratch_operands = 0 : i64, tpu.core_type = #tpu.core_type<tc>, window_params = [{transform_indices = @transform_0, window_bounds = array<i64: 1000, 128>}, {pipeline_mode = #tpu.pipeline_mode<synchronous>, transform_indices = @transform_1, window_bounds = array<i64: 8, 128>}, {pipeline_mode = #tpu.pipeline_mode<synchronous>, transform_indices = @transform_2, window_bounds = array<i64: 1, 128>}, {pipeline_mode = #tpu.pipeline_mode<synchronous>, transform_indices = @transform_3, window_bounds = array<i64: 1, 128>}, {transform_indices = @transform_4, window_bounds = array<i64: 1000, 1>}, {pipeline_mode = #tpu.pipeline_mode<synchronous>, transform_indices = @transform_5, window_bounds = array<i64: 128, 128>}, {transform_indices = @transform_6, window_bounds = array<i64: 1000, 128>}]} {
    %get3A = arith.constant 0 : index
    %get3A_0 = arith.constant 0 : index
    %get3A_1 = vector.load %arg2[%get3A, %get3A_0] : memref<8x128xf32, #tpu.memory_space<vmem>>, vector<1x128xf32>
    %mul3A = arith.constant 9.99999974E-5 : f32
    %mul3A_2 = vector.broadcast %mul3A : f32 to vector<1x128xf32>
    %mul3A_3 = arith.mulf %get3A_1, %mul3A_2 : vector<1x128xf32>
    %get3A_4 = arith.constant 1 : index
    %get3A_5 = arith.constant 0 : index
    %get3A_6 = vector.load %arg2[%get3A_4, %get3A_5] : memref<8x128xf32, #tpu.memory_space<vmem>>, vector<1x128xf32>
    %mul3A_7 = arith.constant 9.99999974E-5 : f32
    %mul3A_8 = vector.broadcast %mul3A_7 : f32 to vector<1x128xf32>
    %mul3A_9 = arith.mulf %get3A_6, %mul3A_8 : vector<1x128xf32>
    %mul3A_10 = arith.mulf %mul3A_3, %mul3A_3 : vector<1x128xf32>
    %sub3A = arith.subf %mul3A_9, %mul3A_10 : vector<1x128xf32>
    %add3A = arith.constant 9.99999974E-6 : f32
    %add3A_11 = vector.broadcast %add3A : f32 to vector<1x128xf32>
    %add3A_12 = arith.addf %sub3A, %add3A_11 : vector<1x128xf32>
    %rsqrt3A = math.rsqrt %add3A_12 : vector<1x128xf32>
    %get3A_13 = arith.constant 0 : index
    %get3A_14 = arith.constant 0 : index
    %get3A_15 = vector.load %arg1[%get3A_13, %get3A_14] : memref<1000x128xf32, #tpu.memory_space<vmem>>, vector<1000x128xf32>
    %sub3A_16 = vector.broadcast %mul3A_3 : vector<1x128xf32> to vector<1000x128xf32>
    %sub3A_17 = arith.subf %get3A_15, %sub3A_16 : vector<1000x128xf32>
    %mul3A_18 = vector.broadcast %rsqrt3A : vector<1x128xf32> to vector<1000x128xf32>
    %mul3A_19 = arith.mulf %sub3A_17, %mul3A_18 : vector<1000x128xf32>
    %get3A_20 = arith.constant 0 : index
    %get3A_21 = arith.constant 0 : index
    %get3A_22 = vector.load %arg3[%get3A_20, %get3A_21] : memref<1x128xf32, #tpu.memory_space<vmem>>, vector<1x128xf32>
    %mul3A_23 = vector.broadcast %get3A_22 : vector<1x128xf32> to vector<1000x128xf32>
    %mul3A_24 = arith.mulf %mul3A_19, %mul3A_23 : vector<1000x128xf32>
    %get3A_25 = arith.constant 0 : index
    %get3A_26 = arith.constant 0 : index
    %get3A_27 = vector.load %arg4[%get3A_25, %get3A_26] : memref<1x128xf32, #tpu.memory_space<vmem>>, vector<1x128xf32>
    %add3A_28 = vector.broadcast %get3A_27 : vector<1x128xf32> to vector<1000x128xf32>
    %add3A_29 = arith.addf %mul3A_24, %add3A_28 : vector<1000x128xf32>
    %max3A = arith.constant 0.000000e+00 : f32
    %max3A_30 = vector.broadcast %max3A : f32 to vector<1000x128xf32>
    %max3A_31 = arith.maximumf %add3A_29, %max3A_30 : vector<1000x128xf32>
    %get3A_32 = arith.constant 0 : index
    %get3A_33 = arith.constant 0 : index
    %get3A_34 = vector.load %arg6[%get3A_32, %get3A_33] : memref<128x128xf32, #tpu.memory_space<vmem>>, vector<128x128xf32>
    %dot_general3A = arith.constant dense<0.000000e+00> : vector<1000x128xf32>
    %dot_general3A_35 = tpu.matmul %max3A_31, %get3A_34, %dot_general3A {dimension_numbers = #tpu.dot_dimension_numbers<[1], [0], [0], [1], [0, 0, 1, 1], [], []>, transpose_lhs_hint = false} : vector<1000x128xf32>, vector<128x128xf32>, vector<1000x128xf32> -> vector<1000x128xf32>
    %get3A_36 = arith.constant 0 : index
    %get3A_37 = arith.constant 0 : index
    %get3A_38 = vector.load %arg5[%get3A_36, %get3A_37] : memref<1000x1xf32, #tpu.memory_space<vmem>>, vector<1000x1xf32>
    %mul3A_39 = vector.broadcast %get3A_38 : vector<1000x1xf32> to vector<1000x128xf32>
    %mul3A_40 = arith.mulf %dot_general3A_35, %mul3A_39 : vector<1000x128xf32>
    %swap3A = arith.constant 0 : index
    %swap3A_41 = arith.constant 0 : index
    %swap3A_42 = vector.load %arg7[%swap3A, %swap3A_41] : memref<1000x128xf32, #tpu.memory_space<vmem>>, vector<1000x128xf32>
    tpu.vector_store %arg7[%swap3A, %swap3A_41], %mul3A_40 {strides = array<i32>} : memref<1000x128xf32, #tpu.memory_space<vmem>>, vector<1000x128xf32>,
    return
  }
  func.func @transform_0(%arg0: i32) -> (i32, i32) {
    %c0_i32 = arith.constant 0 : i32
    %c0_i32_0 = arith.constant 0 : i32
    return %arg0, %c0_i32 : i32, i32
  }
  func.func @transform_1(%arg0: i32) -> (i32, i32) {
    %c0_i32 = arith.constant 0 : i32
    %c0_i32_0 = arith.constant 0 : i32
    %c0_i32_1 = arith.constant 0 : i32
    return %c0_i32, %c0_i32_0 : i32, i32
  }
  func.func @transform_2(%arg0: i32) -> (i32, i32) {
    %c0_i32 = arith.constant 0 : i32
    %c0_i32_0 = arith.constant 0 : i32
    %c0_i32_1 = arith.constant 0 : i32
    return %c0_i32, %c0_i32_0 : i32, i32
  }
  func.func @transform_3(%arg0: i32) -> (i32, i32) {
    %c0_i32 = arith.constant 0 : i32
    %c0_i32_0 = arith.constant 0 : i32
    %c0_i32_1 = arith.constant 0 : i32
    return %c0_i32, %c0_i32_0 : i32, i32
  }
  func.func @transform_4(%arg0: i32) -> (i32, i32) {
    %c0_i32 = arith.constant 0 : i32
    %c0_i32_0 = arith.constant 0 : i32
    return %arg0, %c0_i32 : i32, i32
  }
  func.func @transform_5(%arg0: i32) -> (i32, i32) {
    %c0_i32 = arith.constant 0 : i32
    %c0_i32_0 = arith.constant 0 : i32
    %c0_i32_1 = arith.constant 0 : i32
    return %c0_i32, %c0_i32_0 : i32, i32
  }
  func.func @transform_6(%arg0: i32) -> (i32, i32) {
    %c0_i32 = arith.constant 0 : i32
    %c0_i32_0 = arith.constant 0 : i32
    return %arg0, %c0_i32 : i32, i32
  }
}

module attributes {stable_mosaic.version = 14 : i64} {
  func.func @_tc_f_body(%arg0: i32, %arg1: memref<1000x128xf32, #tpu.memory_space<vmem>>, %arg2: memref<8x128xf32, #tpu.memory_space<vmem>>, %arg3: memref<1x128xf32, #tpu.memory_space<vmem>>, %arg4: memref<1x128xf32, #tpu.memory_space<vmem>>, %arg5: memref<1000x1xi32, #tpu.memory_space<vmem>>, %arg6: memref<1000x128xf32, #tpu.memory_space<vmem>>, %arg7: memref<16x128xf32, #tpu.memory_space<vmem>>, %arg8: memref<16x128xf32, #tpu.memory_space<vmem>>) attributes {dimension_semantics = [#tpu.dimension_semantics<arbitrary>], iteration_bounds = array<i64: 10>, scalar_prefetch = 0 : i64, scratch_operands = 1 : i64, tpu.core_type = #tpu.core_type<tc>, window_params = [{transform_indices = @transform_0, window_bounds = array<i64: 1000, 128>}, {pipeline_mode = #tpu.pipeline_mode<synchronous>, transform_indices = @transform_1, window_bounds = array<i64: 8, 128>}, {pipeline_mode = #tpu.pipeline_mode<synchronous>, transform_indices = @transform_2, window_bounds = array<i64: 1, 128>}, {pipeline_mode = #tpu.pipeline_mode<synchronous>, transform_indices = @transform_3, window_bounds = array<i64: 1, 128>}, {transform_indices = @transform_4, window_bounds = array<i64: 1000, 1>}, {transform_indices = @transform_5, window_bounds = array<i64: 1000, 128>}, {pipeline_mode = #tpu.pipeline_mode<synchronous>, transform_indices = @transform_6, window_bounds = array<i64: 16, 128>}]} {
    %get3A = arith.constant 0 : index
    %get3A_0 = arith.constant 0 : index
    %get3A_1 = vector.load %arg2[%get3A, %get3A_0] : memref<8x128xf32, #tpu.memory_space<vmem>>, vector<1x128xf32>
    %mul3A = arith.constant 9.99999974E-5 : f32
    %mul3A_2 = vector.broadcast %mul3A : f32 to vector<1x128xf32>
    %mul3A_3 = arith.mulf %get3A_1, %mul3A_2 : vector<1x128xf32>
    %get3A_4 = arith.constant 1 : index
    %get3A_5 = arith.constant 0 : index
    %get3A_6 = vector.load %arg2[%get3A_4, %get3A_5] : memref<8x128xf32, #tpu.memory_space<vmem>>, vector<1x128xf32>
    %mul3A_7 = arith.constant 9.99999974E-5 : f32
    %mul3A_8 = vector.broadcast %mul3A_7 : f32 to vector<1x128xf32>
    %mul3A_9 = arith.mulf %get3A_6, %mul3A_8 : vector<1x128xf32>
    %mul3A_10 = arith.mulf %mul3A_3, %mul3A_3 : vector<1x128xf32>
    %sub3A = arith.subf %mul3A_9, %mul3A_10 : vector<1x128xf32>
    %get3A_11 = arith.constant 0 : index
    %get3A_12 = arith.constant 0 : index
    %get3A_13 = vector.load %arg1[%get3A_11, %get3A_12] : memref<1000x128xf32, #tpu.memory_space<vmem>>, vector<1000x128xf32>
    %sub3A_14 = vector.broadcast %mul3A_3 : vector<1x128xf32> to vector<1000x128xf32>
    %sub3A_15 = arith.subf %get3A_13, %sub3A_14 : vector<1000x128xf32>
    %add3A = arith.constant 9.99999974E-6 : f32
    %add3A_16 = vector.broadcast %add3A : f32 to vector<1x128xf32>
    %add3A_17 = arith.addf %sub3A, %add3A_16 : vector<1x128xf32>
    %rsqrt3A = math.rsqrt %add3A_17 : vector<1x128xf32>
    %mul3A_18 = vector.broadcast %rsqrt3A : vector<1x128xf32> to vector<1000x128xf32>
    %mul3A_19 = arith.mulf %sub3A_15, %mul3A_18 : vector<1000x128xf32>
    %get3A_20 = arith.constant 0 : index
    %get3A_21 = arith.constant 0 : index
    %get3A_22 = vector.load %arg3[%get3A_20, %get3A_21] : memref<1x128xf32, #tpu.memory_space<vmem>>, vector<1x128xf32>
    %mul3A_23 = vector.broadcast %get3A_22 : vector<1x128xf32> to vector<1000x128xf32>
    %mul3A_24 = arith.mulf %mul3A_19, %mul3A_23 : vector<1000x128xf32>
    %get3A_25 = arith.constant 0 : index
    %get3A_26 = arith.constant 0 : index
    %get3A_27 = vector.load %arg4[%get3A_25, %get3A_26] : memref<1x128xf32, #tpu.memory_space<vmem>>, vector<1x128xf32>
    %add3A_28 = vector.broadcast %get3A_27 : vector<1x128xf32> to vector<1000x128xf32>
    %add3A_29 = arith.addf %mul3A_24, %add3A_28 : vector<1000x128xf32>
    %mul3A_30 = arith.mulf %add3A_29, %add3A_29 : vector<1000x128xf32>
    %reduce_sum3A = arith.constant dense<0.000000e+00> : vector<1000xf32>
    %reduce_sum3A_31 = vector.multi_reduction <add>, %mul3A_30, %reduce_sum3A [1] : vector<1000x128xf32> to vector<1000xf32>
    %broadcast_in_dim3A = vector.shape_cast %reduce_sum3A_31 : vector<1000xf32> to vector<1000x1xf32>
    %sqrt3A = math.sqrt %broadcast_in_dim3A : vector<1000x1xf32>
    %max3A = arith.constant 9.99999996E-13 : f32
    %max3A_32 = vector.broadcast %max3A : f32 to vector<1000x1xf32>
    %max3A_33 = arith.maximumf %sqrt3A, %max3A_32 : vector<1000x1xf32>
    %div3A = vector.broadcast %max3A_33 : vector<1000x1xf32> to vector<1000x128xf32>
    %div3A_34 = arith.divf %add3A_29, %div3A : vector<1000x128xf32>
    %swap3A = arith.constant 0 : index
    %swap3A_35 = arith.constant 0 : index
    %swap3A_36 = vector.load %arg6[%swap3A, %swap3A_35] : memref<1000x128xf32, #tpu.memory_space<vmem>>, vector<1000x128xf32>
    tpu.vector_store %arg6[%swap3A, %swap3A_35], %div3A_34 {strides = array<i32>} : memref<1000x128xf32, #tpu.memory_space<vmem>>, vector<1000x128xf32>,
    %get3A_37 = arith.constant 0 : index
    %get3A_38 = arith.constant 0 : index
    %get3A_39 = vector.load %arg5[%get3A_37, %get3A_38] : memref<1000x1xi32, #tpu.memory_space<vmem>>, vector<1000x1xi32>
    %iota3A = tpu.iota {dimensions = array<i32: 1>} : vector<1000x16xi32>
    %eq3A = vector.broadcast %get3A_39 : vector<1000x1xi32> to vector<1000x16xi32>
    %eq3A_40 = arith.cmpi eq, %eq3A, %iota3A : vector<1000x16xi32>
    %convert_element_type3A = arith.extui %eq3A_40 : vector<1000x16xi1> to vector<1000x16xi32>
    %convert_element_type3A_41 = arith.sitofp %convert_element_type3A : vector<1000x16xi32> to vector<1000x16xf32>
    %dot_general3A = arith.constant dense<0.000000e+00> : vector<16x128xf32>
    %dot_general3A_42 = tpu.matmul %convert_element_type3A_41, %add3A_29, %dot_general3A {dimension_numbers = #tpu.dot_dimension_numbers<[0], [0], [1], [1], [0, 1, 1, 1], [], []>, transpose_lhs_hint = false} : vector<1000x16xf32>, vector<1000x128xf32>, vector<16x128xf32> -> vector<16x128xf32>
    %broadcast_in_dim3A_43 = arith.constant 1.000000e+00 : f32
    %broadcast_in_dim3A_44 = vector.broadcast %broadcast_in_dim3A_43 : f32 to vector<1000x128xf32>
    %dot_general3A_45 = arith.constant dense<0.000000e+00> : vector<16x128xf32>
    %dot_general3A_46 = tpu.matmul %convert_element_type3A_41, %broadcast_in_dim3A_44, %dot_general3A_45 {dimension_numbers = #tpu.dot_dimension_numbers<[0], [0], [1], [1], [0, 1, 1, 1], [], []>, transpose_lhs_hint = false} : vector<1000x16xf32>, vector<1000x128xf32>, vector<16x128xf32> -> vector<16x128xf32>
    %eq3A_47 = arith.constant 0 : i32
    %eq3A_48 = arith.cmpi eq, %arg0, %eq3A_47 : i32
    %convert_element_type3A_49 = arith.extui %eq3A_48 : i1 to i32
    %cond3A = arith.constant 0 : i32
    %cond3A_50 = arith.cmpi ne, %convert_element_type3A_49, %cond3A : i32
    scf.if %cond3A_50 {
      %broadcast_in_dim3A_70 = arith.constant 0.000000e+00 : f32
      %broadcast_in_dim3A_71 = vector.broadcast %broadcast_in_dim3A_70 : f32 to vector<16x128xf32>
      %swap3A_72 = arith.constant 0 : index
      %swap3A_73 = arith.constant 0 : index
      %swap3A_74 = vector.load %arg7[%swap3A_72, %swap3A_73] : memref<16x128xf32, #tpu.memory_space<vmem>>, vector<16x128xf32>
      tpu.vector_store %arg7[%swap3A_72, %swap3A_73], %broadcast_in_dim3A_71 {strides = array<i32>} : memref<16x128xf32, #tpu.memory_space<vmem>>, vector<16x128xf32>,
      %broadcast_in_dim3A_75 = arith.constant 0.000000e+00 : f32
      %broadcast_in_dim3A_76 = vector.broadcast %broadcast_in_dim3A_75 : f32 to vector<16x128xf32>
      %swap3A_77 = arith.constant 0 : index
      %swap3A_78 = arith.constant 0 : index
      %swap3A_79 = vector.load %arg8[%swap3A_77, %swap3A_78] : memref<16x128xf32, #tpu.memory_space<vmem>>, vector<16x128xf32>
      tpu.vector_store %arg8[%swap3A_77, %swap3A_78], %broadcast_in_dim3A_76 {strides = array<i32>} : memref<16x128xf32, #tpu.memory_space<vmem>>, vector<16x128xf32>,
    } else {
    }
    %get3A_51 = arith.constant 0 : index
    %get3A_52 = arith.constant 0 : index
    %get3A_53 = vector.load %arg7[%get3A_51, %get3A_52] : memref<16x128xf32, #tpu.memory_space<vmem>>, vector<16x128xf32>
    %add3A_54 = arith.addf %get3A_53, %dot_general3A_42 : vector<16x128xf32>
    %swap3A_55 = arith.constant 0 : index
    %swap3A_56 = arith.constant 0 : index
    %swap3A_57 = vector.load %arg7[%swap3A_55, %swap3A_56] : memref<16x128xf32, #tpu.memory_space<vmem>>, vector<16x128xf32>
    tpu.vector_store %arg7[%swap3A_55, %swap3A_56], %add3A_54 {strides = array<i32>} : memref<16x128xf32, #tpu.memory_space<vmem>>, vector<16x128xf32>,
    %get3A_58 = arith.constant 0 : index
    %get3A_59 = arith.constant 0 : index
    %get3A_60 = vector.load %arg8[%get3A_58, %get3A_59] : memref<16x128xf32, #tpu.memory_space<vmem>>, vector<16x128xf32>
    %add3A_61 = arith.addf %get3A_60, %dot_general3A_46 : vector<16x128xf32>
    %swap3A_62 = arith.constant 0 : index
    %swap3A_63 = arith.constant 0 : index
    %swap3A_64 = vector.load %arg8[%swap3A_62, %swap3A_63] : memref<16x128xf32, #tpu.memory_space<vmem>>, vector<16x128xf32>
    tpu.vector_store %arg8[%swap3A_62, %swap3A_63], %add3A_61 {strides = array<i32>} : memref<16x128xf32, #tpu.memory_space<vmem>>, vector<16x128xf32>,
    %eq3A_65 = arith.constant 9 : i32
    %eq3A_66 = arith.cmpi eq, %arg0, %eq3A_65 : i32
    %convert_element_type3A_67 = arith.extui %eq3A_66 : i1 to i32
    %cond3A_68 = arith.constant 0 : i32
    %cond3A_69 = arith.cmpi ne, %convert_element_type3A_67, %cond3A_68 : i32
    scf.if %cond3A_69 {
      %get3A_70 = arith.constant 0 : index
      %get3A_71 = arith.constant 0 : index
      %get3A_72 = vector.load %arg7[%get3A_70, %get3A_71] : memref<16x128xf32, #tpu.memory_space<vmem>>, vector<16x128xf32>
      %get3A_73 = arith.constant 0 : index
      %get3A_74 = arith.constant 0 : index
      %get3A_75 = vector.load %arg8[%get3A_73, %get3A_74] : memref<16x128xf32, #tpu.memory_space<vmem>>, vector<16x128xf32>
      %max3A_76 = arith.constant 1.000000e+00 : f32
      %max3A_77 = vector.broadcast %max3A_76 : f32 to vector<16x128xf32>
      %max3A_78 = arith.maximumf %get3A_75, %max3A_77 : vector<16x128xf32>
      %div3A_79 = arith.divf %get3A_72, %max3A_78 : vector<16x128xf32>
      %swap3A_80 = arith.constant 0 : index
      %swap3A_81 = arith.constant 0 : index
      %swap3A_82 = vector.load %arg7[%swap3A_80, %swap3A_81] : memref<16x128xf32, #tpu.memory_space<vmem>>, vector<16x128xf32>
      tpu.vector_store %arg7[%swap3A_80, %swap3A_81], %div3A_79 {strides = array<i32>} : memref<16x128xf32, #tpu.memory_space<vmem>>, vector<16x128xf32>,
    } else {
    }
    return
  }
  func.func @transform_0(%arg0: i32) -> (i32, i32) {
    %c0_i32 = arith.constant 0 : i32
    %c0_i32_0 = arith.constant 0 : i32
    return %arg0, %c0_i32 : i32, i32
  }
  func.func @transform_1(%arg0: i32) -> (i32, i32) {
    %c0_i32 = arith.constant 0 : i32
    %c0_i32_0 = arith.constant 0 : i32
    %c0_i32_1 = arith.constant 0 : i32
    return %c0_i32, %c0_i32_0 : i32, i32
  }
  func.func @transform_2(%arg0: i32) -> (i32, i32) {
    %c0_i32 = arith.constant 0 : i32
    %c0_i32_0 = arith.constant 0 : i32
    %c0_i32_1 = arith.constant 0 : i32
    return %c0_i32, %c0_i32_0 : i32, i32
  }
  func.func @transform_3(%arg0: i32) -> (i32, i32) {
    %c0_i32 = arith.constant 0 : i32
    %c0_i32_0 = arith.constant 0 : i32
    %c0_i32_1 = arith.constant 0 : i32
    return %c0_i32, %c0_i32_0 : i32, i32
  }
  func.func @transform_4(%arg0: i32) -> (i32, i32) {
    %c0_i32 = arith.constant 0 : i32
    %c0_i32_0 = arith.constant 0 : i32
    return %arg0, %c0_i32 : i32, i32
  }
  func.func @transform_5(%arg0: i32) -> (i32, i32) {
    %c0_i32 = arith.constant 0 : i32
    %c0_i32_0 = arith.constant 0 : i32
    return %arg0, %c0_i32 : i32, i32
  }
  func.func @transform_6(%arg0: i32) -> (i32, i32) {
    %c0_i32 = arith.constant 0 : i32
    %c0_i32_0 = arith.constant 0 : i32
    %c0_i32_1 = arith.constant 0 : i32
    return %c0_i32, %c0_i32_0 : i32, i32
  }
}

</mosaic_0001>

<sc_bundles>
// kernel: kernel.10.cloned.1.call-start
scs
__scs_entry_jumppad:
0x0: {  	(pc) =	sbr.rel $0x88, $3  }
0x1: {  	(tag) =	ssettag $0x0;
	lr =	simm.s32 $0x1  }
0x2: {  	[smem:$0x3F95] =	sst lr;
	_ =	strace $0xD0000000  }
0x3: {  	_ = 	snop  }
0x4: {  	_ = 	snop  }
0x5: {  	_ = 	snop  }
0x6: {  	_ = 	snop  }
0x7: {  	_ = 	snop  }
__scs_overlays_trampoline_lowered:
0x8: {  	[smem:$0x3FA4] =	sst s0  }
0x9: {  	[smem:$0x3FA5] =	sst s1  }
0xa: {  	[smem:$0x3FA6] =	sst s2  }
0xb: {  	[smem:$0x3FA7] =	sst s3  }
0xc: {  	[smem:$0x3FA8] =	sst s4  }
0xd: {  	[smem:$0x3FA9] =	sst s5  }
0xe: {  	[smem:$0x3FAA] =	sst s6  }
0xf: {  	[smem:$0x3FAB] =	sst s7  }
0x10: {  	[smem:$0x3FAC] =	sst s8  }
0x11: {  	[smem:$0x3FAD] =	sst s9;
	s0 =	simm.s32 @!p0 $0x0  }
0x12: {  	s1 =	sld [smem:$0x3F93];
	s0 =	simm.s32 @p0 $0x1  }
0x13: {  	[smem:$0x3FAE] =	sst s0;
	s0 =	simm.s32 @!p1 $0x0  }
0x14: {  	s2 =	sld [smem:$0x3F92];
	s0 =	simm.s32 @p1 $0x1  }
0x15: {  	[smem:$0x3FAF] =	sst s0;
	s0 =	simm.s32 @!p2 $0x0  }
0x16: {  	s3 =	sld [smem:$0x3FDB];
	s0 =	simm.s32 @p2 $0x1  }
0x17: {  	s4 =	simm.s32 $0x1BF5;
	[smem:$0x3FB1] =	sst s0  }
0x18: {  	s0 =	sld [smem:$0x3F94];
	_ =	swait.ge [sflag:s4], $0x0  }
0x19: {  	s7 =	sld [smem:$0x3F95]  }
0x1a: {  	s8 =	sadd.s32 $0xFFFFE003, lr  }
0x1b: {  	s9 =	sadd.s32 $0xFFFFFEF7, lr;
	s5 =	simm.s32 $0xFFFFFFFF;
	p2 =	slt.u32 s8, $0xFFFFF086  }
0x1c: {  	p1 =	slt.u32 s9, $0xF7A;
	s5 =	simm.s32 @!p2 $0x0  }
0x1d: {  	s5 =	simm.s32 @p1 $0x1;
	p0 =	seq.s32 s7, s2  }
0x1e: {  	s7 =	smul.u32 @!p0 $0xF7A, s2;
	p2 =	seq.s32 @!p0 s5, $0x0  }
0x1f: {  	s9 =	smul.u32 $0xF7A, s1;
	s8 =	simm.s32 @!p0 $0x1BF5;
	p2 =	por !p2, p0  }
0x20: {  	[sflag:s8] =	ssyncset.s32 @!p0 $0xFFFFF086;
	s6 =	sadd.s32 @!p0 s3, s7;
	s7 =	simm.s32 @!p0 $0x108  }
0x21: {  	s3 =	sadd.s32 s3, s9;
	s6 =	sadd.s32 @!p0 $0x88, s6;
	s7 =	simm.s32 @p2 $0x1082  }
0x22: {  	[simem:s7], [sflag:s8] =	dma.local @!p0 [hbm:s6], $0xF7A  }
0x23: {  	s9 =	sor.u32 $0xD0000000, s2;
	s6 =	simm.s32 $0x108;
	_ =	swait.ge @!p0 [sflag:s8], $0x0  }
0x24: {  	s3 =	sadd.s32 $0x88, s3;
	s6 =	simm.s32 @!p1 $0x1082;
	[sflag:s4] =	ssyncset.s32 $0xFFFFF086  }
0x25: {  	[simem:s6], [sflag:s4] =	dma.local [hbm:s3], $0xF7A  }
0x26: {  	[smem:$0x3F95] =	sst s1;
	(tag) =	ssettag s2;
	_ =	strace s9  }
0x27: {  	s1 =	sld [smem:$0x3FA5]  }
0x28: {  	s2 =	sld [smem:$0x3FA6]  }
0x29: {  	s4 =	sld [smem:$0x3FA8]  }
0x2a: {  	p0 =	seq.s32 s5, $0x0;
	s5 =	sld [smem:$0x3FA9]  }
0x2b: {  	s6 =	sld [smem:$0x3FAA]  }
0x2c: {  	s7 =	sld [smem:$0x3FAB]  }
0x2d: {  	s3 =	simm.s32 $0x108;
	s8 =	sld [smem:$0x3FAC]  }
0x2e: {  	s3 =	simm.s32 @!p0 $0x1082;
	s9 =	sld [smem:$0x3FAD]  }
0x2f: {  	lr =	sadd.s32 s0, s3;
	s0 =	sld [smem:$0x3FA4]  }
0x30: {  	s3 =	sld [smem:$0x3FA7]  }
0x31: {  	[smem:$0x3FB0] =	sst s10  }
0x32: {  	s10 =	sld [smem:$0x3FAE];
	_ =	sdelay $0x3  }
0x33: {  	p0 =	seq.s32 s10, $0x1;
	s10 =	sld [smem:$0x3FB0];
	_ =	sdelay $0x3  }
0x34: {  	[smem:$0x3FB0] =	sst s10  }
0x35: {  	s10 =	sld [smem:$0x3FAF];
	_ =	sdelay $0x3  }
0x36: {  	p1 =	seq.s32 s10, $0x1;
	s10 =	sld [smem:$0x3FB0];
	_ =	sdelay $0x3  }
0x37: {  	[smem:$0x3FB0] =	sst s10  }
0x38: {  	s10 =	sld [smem:$0x3FB1]  }
0x39: {  	_ = 	snop;
	(pc) =	sbr.ind lr, $3  }
0x3a: {  	_ = 	snop  }
0x3b: {  	_ = 	snop  }
0x3c: {  	p2 =	seq.s32 s10, $0x1;
	s10 =	sld [smem:$0x3FB0]  }
0x3d: {  	_ =	shalt  }
0x3e: {  	_ =	shalt  }
0x3f: {  	_ =	shalt  }
0x40: {  	_ =	shalt  }
0x41: {  	_ =	shalt  }
0x42: {  	_ =	shalt  }
0x43: {  	_ =	shalt  }
0x44: {  	_ =	shalt  }
0x45: {  	_ =	shalt  }
0x46: {  	_ =	shalt  }
0x47: {  	_ =	shalt  }
0x48: {  	_ =	shalt  }
0x49: {  	_ =	shalt  }
0x4a: {  	_ =	shalt  }
0x4b: {  	_ =	shalt  }
0x4c: {  	_ =	shalt  }
0x4d: {  	_ =	shalt  }
0x4e: {  	_ =	shalt  }
0x4f: {  	_ =	shalt  }
0x50: {  	_ =	shalt  }
0x51: {  	_ =	shalt  }
0x52: {  	_ =	shalt  }
0x53: {  	_ =	shalt  }
0x54: {  	_ =	shalt  }
0x55: {  	_ =	shalt  }
0x56: {  	_ =	shalt  }
0x57: {  	_ =	shalt  }
0x58: {  	_ =	shalt  }
0x59: {  	_ =	shalt  }
0x5a: {  	_ =	shalt  }
0x5b: {  	_ =	shalt  }
0x5c: {  	_ =	shalt  }
0x5d: {  	_ =	shalt  }
0x5e: {  	_ =	shalt  }
0x5f: {  	_ =	shalt  }
0x60: {  	_ =	shalt  }
0x61: {  	_ =	shalt  }
0x62: {  	_ =	shalt  }
0x63: {  	_ =	shalt  }
0x64: {  	_ =	shalt  }
0x65: {  	_ =	shalt  }
0x66: {  	_ =	shalt  }
0x67: {  	_ =	shalt  }
0x68: {  	_ =	shalt  }
0x69: {  	_ =	shalt  }
0x6a: {  	_ =	shalt  }
0x6b: {  	_ =	shalt  }
0x6c: {  	_ =	shalt  }
0x6d: {  	_ =	shalt  }
0x6e: {  	_ =	shalt  }
0x6f: {  	_ =	shalt  }
0x70: {  	_ =	shalt  }
0x71: {  	_ =	shalt  }
0x72: {  	_ =	shalt  }
0x73: {  	_ =	shalt  }
0x74: {  	_ =	shalt  }
0x75: {  	_ =	shalt  }
0x76: {  	_ =	shalt  }
0x77: {  	_ =	shalt  }
0x78: {  	_ =	shalt  }
0x79: {  	_ =	shalt  }
0x7a: {  	_ =	shalt  }
0x7b: {  	_ =	shalt  }
0x7c: {  	_ =	shalt  }
0x7d: {  	_ =	shalt  }
0x7e: {  	_ =	shalt  }
0x7f: {  	_ =	shalt  }
0x80: {  	_ =	shalt  }
0x81: {  	_ =	shalt  }
0x82: {  	_ =	shalt  }
0x83: {  	_ =	shalt  }
0x84: {  	_ =	shalt  }
0x85: {  	_ =	shalt  }
0x86: {  	_ =	shalt  }
0x87: {  	_ =	shalt  }
.Lfunc_end0:
.L_simem_size_0:
called_computation_lowered:
.L_overlay_start_0:
0x88: {  	s2 =	sld [smem:$0x3FD9]  }
0x89: {  	s3 =	sld [smem:$0x3FFE];
	_ =	sdelay $0x1  }
0x8a: {  	s1 =	srdreg.scid  }
0x8b: {  	s0 =	sand.u32 $0x1, s1  }
0x8c: {  	s14 =	sshll.u32 s0, $0xA;
	s2 =	sadd.s32 s3, s2  }
0x8d: {  	s2 =	sadd.s32 s2, s14  }
0x8e: {  	[smem:$0x3FBC] =	sst s2  }
0x8f: {  	_ = 	snop  }
0x90: {  	s2 =	sld [smem:$0x3FD0];
	_ =	sdelay $0x2  }
0x91: {  	s15 =	simm.s32 $0xA;
	s4 =	simm.s32 $0x10  }
0x92: {  	[smem:s4], [sflag:s15] =	dma.local [hbm:s2], $0x1  }
0x93: {  	_ =	swait.eq [sflag:s15], $0x1  }
0x94: {  	[sflag:s15] =	ssyncset.done $0x0  }
0x95: {  	[sflag:s15] =	ssyncadd.s32 $0xFFFFFFFF  }
0x96: {  	s16 =	sld [smem:$0x11];
	(tm) =	ssettm $0x1  }
0x97: {  	s17 =	sld [smem:$0x3FFB];
	_ =	sdelay $0x3  }
0x98: {  	_ =	strace s17  }
0x99: {  	s3 =	sld [smem:$0x3FFC];
	_ =	sdelay $0x3  }
0x9a: {  	_ =	strace s3  }
0x9b: {  	s3 =	sld [smem:$0x3FFD];
	_ =	sdelay $0x3  }
0x9c: {  	_ =	strace s3  }
0x9d: {  	_ =	strace $0x8FFFFFFF  }
0x9e: {  	s18 =	sld [smem:$0x3FDB];
	_ =	sdelay $0x1  }
0x9f: {  	s19 =	simm.s32 $_scs_section_size  }
0xa0: {  	s5 =	simm.s32 $_size__tile_overlayer_lowered;
	s6 =	simm.s32 $_tile_overlayer_lowered  }
0xa1: {  	s22 =	simm.s32 $0x1BFF;
	s21 =	sshll.u32 s6, $0x1;
	s3 =	sadd.s32 s19, s18  }
0xa2: {  	s7 =	simm.s32 $0x0;
	s20 =	sshll.u32 s5, $0x1;
	s5 =	sadd.s32 s21, s3  }
0xa3: {  	[timem:s7], [sflag:s22] =	dma.local [hbm:s5], s20  }
0xa4: {  	_ =	swait.ge [sflag:s22], s20  }
0xa5: {  	s4 =	ssub.s32 $0x0, s20;
	[sflag:s22] =	ssyncset.done $0x0  }
0xa6: {  	[sflag:s22] =	ssyncadd.s32 s4;
	_ =	sdelay $0x1  }
0xa7: {  	s23 =	simm.s32 $0x1B8B  }
0xa8: {  	_ =	swait.ge [sflag:s23], $0x1  }
0xa9: {  	[sflag:s23] =	ssyncset.done $0x0  }
0xaa: {  	s25 =	simm.s32 $0x1B8E;
	s24 =	sld [smem:$0x3FFE];
	[sflag:s23] =	ssyncadd.s32 $0xFFFFFFFF  }
0xab: {  	s26 =	simm.s32 $execute0_lowered;
	[smem:$0x3FD2] =	sst s25  }
0xac: {  	s5 =	sshll.u32 s26, $0x1;
	_ =	strace $0x80000046;
	[dreg:$0x1] =	wrdreg $0xFFFFFFFF  }
0xad: {  	s28 =	simm.s32 $_size_execute0_lowered;
	s3 =	sadd.s32 s3, s5;
	[dreg:$0x0] =	wrdreg $0x0  }
0xae: {  	s5 =	sshll.u32 s28, $0x1;
	[dreg:$0x2] =	wrdreg s3  }
0xaf: {  	[dreg:$0x3] =	wrdreg s5  }
0xb0: {  	[dreg:$0x4] =	wrdreg $0xC0  }
0xb1: {  	_ =	task [dreg:s7], $0x5FFFF  }
0xb2: {  	[dreg:$0x1] =	wrdreg $0xFFFFFFFF  }
0xb3: {  	[dreg:$0x0] =	wrdreg $0x60  }
0xb4: {  	[dreg:$0x2] =	wrdreg s24  }
0xb5: {  	[dreg:$0x3] =	wrdreg s16  }
0xb6: {  	[dreg:$0x4] =	wrdreg $0x68000  }
0xb7: {  	[dreg:$0x5] =	wrdreg $0x9  }
0xb8: {  	_ =	task.clear_ibuf [dreg:s7], $0x6FFFF;
	_ =	strace $0x90000046  }
0xb9: {  	s29 =	simm.s32 $0x9;
	_ =	strace $0x80000048  }
0xba: {  	_ =	swait.ge [sflag:s29], $0x1  }
0xbb: {  	[sflag:s29] =	ssyncadd.s32 $0xFFFFFFFF  }
0xbc: {  	_ =	strace $0x90000048  }
0xbd: {  	_ =	sfence  }
0xbe: {  	s30 =	sld [smem:$0x0];
	_ =	sdelay $0x2  }
0xbf: {  	s31 =	sshll.u32 s1, $0xD;
	s1 =	sshrl.u32 s1, $0x2  }
0xc0: {  	s3 =	sand.u32 $0x4000, s31;
	s1 =	sadd.s32 s1, s30  }
0xc1: {  	s0 =	sor.u32 s3, s0;
	s1 =	sshll.u32 s1, $0x11  }
0xc2: {  	s0 =	sor.u32 s1, s0  }
0xc3: {  	s0 =	sadd.s32 $0x8F2B, s0  }
0xc4: {  	[sflag:s0] =	ssyncadd.remote.s32 $0x1  }
0xc5: {  	_ =	sfence.sel $0xFFFF  }
0xc6: {  	[dreg:$0x0] =	wrdreg $0xFFFFFFFF;
	(pc) =	sbr.abs _section_cstart, $3  }
0xc7: {  	[dreg:$0x1] =	wrdreg $0xFFFFFFFF  }
0xc8: {  	_ =	task.clear_ibuf [dreg:s7], $0x2FFFF;
	_ =	strace $0x9FFFFFFF  }
0xc9: {  	(tm) =	ssettm $0x7FFFFFFF  }
tec
execute0_lowered:
.L_overlay_start_1:
0x0: {  	(tag) =	ssettag $0x1  }
0x1: {  	s5 =	rddreg [dreg:$0x0]  }
0x2: {  	s0 =	srdreg.scid;
	s1 =	rddreg [dreg:$0x1]  }
0x3: {  	s2 =	rddreg [dreg:$0x2];
	s8 =	stileid.u32;
	s3 =	simm.s32 $0x0  }
0x4: {  	s11 =	simm.s32 $0x80;
	s12 =	simm.s32 $0x1;
	s4 =	sand.u32 $0x1, s0  }
0x5: {  	s13 =	simm.s32 $0x0;
	s0 =	rddreg [dreg:$0x3];
	s6 =	sshll.u32 s4, $0x4  }
0x6: {  	[smem:$0x7FF] =	sst s3;
	s7 =	smul.u32 $0x27800, s4;
	s6 =	sor.u32 s8, s6  }
0x7: {  	p0 =	sne.s32 s8, $0x0;
	s9 =	ssub.s32 $0x2, s4;
	s6 =	smul.u32 $0x500, s6  }
0x8: {  	_ =	strace $0x80000047;
	s4 =	sadd.s32 $0xD000, s5;
	s10 =	sshrl.u32 s9, $0x1  }
0x9: {  	s8 =	sshrl.u32 @!p0 s2, $0x3;
	s7 =	sadd.s32 s7, s5;
	s6 =	sadd.s32 s6, s5  }
0xa: {  	s9 =	ssub.s32 s9, s10;
	s10 =	simm.s32 $0x2;
	s5 =	sadd.s32 $0x3000, s6  }
0xb: {  	s6 =	sadd.s32 $0x34800, s7;
	s7 =	smax.u32 s9, $0x1;
	s9 =	simm.s32 $0x2800  }
.LBB2_1:
0xc: {  	s14 =	simm.s32 @!p0 $0x1C02  }
0xd: {  	[spmem:s8], [sflag:s14] =	dma.local @!p0 [hbm:s4], $0x27800  }
0xe: {  	s14 =	simm.s32 @!p0 $0x2  }
0xf: {  	_ =	swait.ge @!p0 [sflag:s14], $0x27800  }
0x10: {  	[sflag:s14] =	ssyncset.done @!p0 $0x0  }
0x11: {  	[sflag:s14] =	ssyncadd.s32 @!p0 $0xFFFD8800  }
0x12: {  	[tilespmem:s9], [sflag:$0x2] =	stream.linear.gather [hbm4b:s1+s3], $0x4000, $0x38;
	[tilespmem:$0x1A400] =	vst v63  }
0x13: {  	_ =	swait.ge [sflag:s10], $0x4000  }
0x14: {  	[sflag:s10] =	ssyncset.done $0x0  }
0x15: {  	[sflag:s10] =	ssyncadd.s32 $0xFFFFC000  }
0x16: {  	[tilespmem:s3], [sflag:$0x2] =	stream.linear.gather [hbm4b:s5+s3], $0x2800, $0x38;
	[tilespmem:$0x1A400] =	vst v63  }
0x17: {  	_ =	swait.ge [sflag:s10], $0x2800  }
0x18: {  	[sflag:s10] =	ssyncset.done $0x0  }
0x19: {  	[sflag:s10] =	ssyncadd.s32 $0xFFFFD800  }
0x1a: {  	s28 =	simm.s32 $0x0;
	[bflag:$0x0] =	sbarrier.arrive $0xFFFF  }
0x1b: {  	[spmem:s2] =	stream.indirect.scatter.add.f32 [tilespmem:s9], [sflag:$0x1], $0x80, s28, s11, $0xb8;
	[tilespmem:$0x1A400] =	vst v63  }
0x1c: {  	s29 =	simm.s32 $0x80  }
0x1d: {  	[spmem:s2] =	stream.indirect.scatter.add.f32 [tilespmem:s9], [sflag:$0x1], $0x80, s29, s11, $0xb8;
	[tilespmem:$0x1A400] =	vst v63  }
0x1e: {  	s30 =	simm.s32 $0x100  }
0x1f: {  	[spmem:s2] =	stream.indirect.scatter.add.f32 [tilespmem:s9], [sflag:$0x1], $0x80, s30, s11, $0xb8;
	[tilespmem:$0x1A400] =	vst v63  }
0x20: {  	s31 =	simm.s32 $0x180  }
0x21: {  	[spmem:s2] =	stream.indirect.scatter.add.f32 [tilespmem:s9], [sflag:$0x1], $0x80, s31, s11, $0xb8;
	[tilespmem:$0x1A400] =	vst v63  }
0x22: {  	_ =	swait.ge [sflag:s12], $0x4000  }
0x23: {  	[sflag:s12] =	ssyncset.done $0x0  }
0x24: {  	[sflag:s12] =	ssyncadd.s32 $0xFFFFC000  }
0x25: {  	_ =	swait.ge [sflag:s12], $0x4000  }
0x26: {  	[sflag:s12] =	ssyncset.done $0x0  }
0x27: {  	[sflag:s12] =	ssyncadd.s32 $0xFFFFC000  }
0x28: {  	_ =	swait.ge [sflag:s12], $0x4000  }
0x29: {  	[sflag:s12] =	ssyncset.done $0x0  }
0x2a: {  	[sflag:s12] =	ssyncadd.s32 $0xFFFFC000  }
0x2b: {  	_ =	swait.ge [sflag:s12], $0x4000  }
0x2c: {  	s15 =	simm.s32 $0x1000;
	s14 =	simm.s32 $0x800;
	[sflag:s12] =	ssyncset.done $0x0  }
.LBB2_2:
0x2d: {  	s16 =	sshra.s32 s14, $0x2  }
0x2e: {  	[sflag:s12] =	ssyncadd.s32 $0xFFFFC000;
	s14 =	smov.u32 s15;
	s17 =	sadd.s32 $0x800, s15  }
0x2f: {  	[spmem:s2] =	stream.indirect.scatter.add.f32 [tilespmem:s9], [sflag:$0x1], $0x80, s16, s11, $0xb8;
	[tilespmem:$0x1A400] =	vst v63  }
0x30: {  	p1 =	sne.s32 s15, $0x9800;
	s15 =	sadd.s32 $0x80, s16  }
0x31: {  	[spmem:s2] =	stream.indirect.scatter.add.f32 [tilespmem:s9], [sflag:$0x1], $0x80, s15, s11, $0xb8;
	[tilespmem:$0x1A400] =	vst v63  }
0x32: {  	s15 =	sadd.s32 $0x100, s16  }
0x33: {  	[spmem:s2] =	stream.indirect.scatter.add.f32 [tilespmem:s9], [sflag:$0x1], $0x80, s15, s11, $0xb8;
	[tilespmem:$0x1A400] =	vst v63  }
0x34: {  	s15 =	sadd.s32 $0x180, s16  }
0x35: {  	[spmem:s2] =	stream.indirect.scatter.add.f32 [tilespmem:s9], [sflag:$0x1], $0x80, s15, s11, $0xb8;
	[tilespmem:$0x1A400] =	vst v63  }
0x36: {  	_ =	swait.ge [sflag:s12], $0x4000  }
0x37: {  	[sflag:s12] =	ssyncset.done $0x0  }
0x38: {  	[sflag:s12] =	ssyncadd.s32 $0xFFFFC000  }
0x39: {  	_ =	swait.ge [sflag:s12], $0x4000  }
0x3a: {  	[sflag:s12] =	ssyncset.done $0x0  }
0x3b: {  	[sflag:s12] =	ssyncadd.s32 $0xFFFFC000  }
.Ltmp0:
0x3c: {  	_ =	swait.ge [sflag:s12], $0x4000;
	(pc) =	sbr.rel @p1 .LBB2_2-.Ltmp0, $4  }
0x3d: {  	[sflag:s12] =	ssyncset.done $0x0  }
0x3e: {  	[sflag:s12] =	ssyncadd.s32 $0xFFFFC000  }
0x3f: {  	_ =	swait.ge [sflag:s12], $0x4000  }
0x40: {  	s15 =	smov.u32 s17;
	[sflag:s12] =	ssyncset.done $0x0  }
0x41: {  	s14 =	sshra.s32 s14, $0x2;
	[sflag:s12] =	ssyncadd.s32 $0xFFFFC000  }
0x42: {  	[spmem:s2] =	stream.indirect.scatter.add.f32 [tilespmem:s9], [sflag:$0x1], $0x80, s14, s11, $0xb8;
	[tilespmem:$0x1A400] =	vst v63  }
0x43: {  	s15 =	sadd.s32 $0x80, s14  }
0x44: {  	[spmem:s2] =	stream.indirect.scatter.add.f32 [tilespmem:s9], [sflag:$0x1], $0x80, s15, s11, $0xb8;
	[tilespmem:$0x1A400] =	vst v63  }
0x45: {  	s31 =	sadd.s32 $0x100, s14  }
0x46: {  	[spmem:s2] =	stream.indirect.scatter.add.f32 [tilespmem:s9], [sflag:$0x1], $0x80, s31, s11, $0xb8;
	[tilespmem:$0x1A400] =	vst v63  }
0x47: {  	s14 =	sadd.s32 $0x180, s14  }
0x48: {  	[spmem:s2] =	stream.indirect.scatter.add.f32 [tilespmem:s9], [sflag:$0x1], $0x80, s14, s11, $0xb8;
	[tilespmem:$0x1A400] =	vst v63  }
0x49: {  	_ =	swait.ge [sflag:s12], $0x4000  }
0x4a: {  	[sflag:s12] =	ssyncset.done $0x0  }
0x4b: {  	[sflag:s12] =	ssyncadd.s32 $0xFFFFC000  }
0x4c: {  	_ =	swait.ge [sflag:s12], $0x4000  }
0x4d: {  	[sflag:s12] =	ssyncset.done $0x0  }
0x4e: {  	[sflag:s12] =	ssyncadd.s32 $0xFFFFC000  }
0x4f: {  	_ =	swait.ge [sflag:s12], $0x4000  }
0x50: {  	[sflag:s12] =	ssyncset.done $0x0  }
0x51: {  	[sflag:s12] =	ssyncadd.s32 $0xFFFFC000  }
0x52: {  	_ =	swait.ge [sflag:s12], $0x4000  }
0x53: {  	[sflag:s12] =	ssyncset.done $0x0  }
0x54: {  	s13 =	sadd.s32 $0x1, s13;
	[sflag:s12] =	ssyncadd.s32 $0xFFFFC000  }
0x55: {  	p1 =	sne.s32 s13, s7;
	s14 =	simm.s32 @!p0 $0x1C02;
	[bflag:$0x0] =	sbarrier.arrive $0xFFFF  }
0x56: {  	[hbm:s6], [sflag:s14] =	dma.local @!p0 [spmem:s8], $0x27800  }
.Ltmp1:
0x57: {  	_ = 	snop;
	(pc) =	sbr.rel @p1 .LBB2_1-.Ltmp1, $4  }
0x58: {  	s14 =	simm.s32 @!p0 $0x2  }
0x59: {  	_ =	swait.ge @!p0 [sflag:s14], $0x27800  }
0x5a: {  	[sflag:s14] =	ssyncset.done @!p0 $0x0  }
0x5b: {  	[sflag:s14] =	ssyncadd.s32 @!p0 $0xFFFD8800  }
0x5c: {  	_ =	sfence.sel $0x180000  }
0x5d: {  	[bflag:$0x0] =	sbarrier.arrive $0xFFFF  }
0x5e: {  	_ =	strace $0x90000047  }
0x5f: {  	s0 =	sadd.s32 @!p0 $0x100000, s0;
	[bflag:$0x2] =	sbarrier.arrive $0xFFFF  }
0x60: {  	[sflag:s0] =	ssyncadd.tile.s32 @!p0 $0x1;
	_ =	shalt  }
.Lfunc_end2:
_tile_overlayer_lowered:
.L_overlay_start_2:
0x61: {  	(tag) =	ssettag $0x2  }
0x62: {  	s0 =	rddreg [dreg:$0x0];
	s2 =	stileid.u32  }
0x63: {  	s1 =	rddreg [dreg:$0x1];
	p0 =	sne.s32 s2, $0x0  }
0x64: {  	s3 =	rddreg [dreg:$0x2];
	[bflag:$0x3] =	sbarrier.arrive $0xFFFF;
	s2 =	simm.s32 @!p0 $0x1C02  }
0x65: {  	[timem:s3], [sflag:s2] =	dma.local @!p0 [hbm:s0], s1  }
0x66: {  	s0 =	simm.s32 @!p0 $0x2  }
0x67: {  	_ =	swait.ge @!p0 [sflag:s0], s1  }
0x68: {  	s1 =	ssub.s32 @!p0 $0x0, s1;
	[sflag:s0] =	ssyncset.done @!p0 $0x0  }
0x69: {  	[sflag:s0] =	ssyncadd.s32 @!p0 s1  }
0x6a: {  	[bflag:$0x3] =	sbarrier.arrive $0xFFFF  }
0x6b: {  	_ =	shalt  }

// kernel: kernel.13.cloned.1.call-start
scs
__scs_entry_jumppad:
0x0: {  	(pc) =	sbr.rel $0x88, $3  }
0x1: {  	(tag) =	ssettag $0x0;
	lr =	simm.s32 $0x1  }
0x2: {  	[smem:$0x3F95] =	sst lr;
	_ =	strace $0xD0000000  }
0x3: {  	_ = 	snop  }
0x4: {  	_ = 	snop  }
0x5: {  	_ = 	snop  }
0x6: {  	_ = 	snop  }
0x7: {  	_ = 	snop  }
__scs_overlays_trampoline_lowered:
0x8: {  	[smem:$0x3FA4] =	sst s0  }
0x9: {  	[smem:$0x3FA5] =	sst s1  }
0xa: {  	[smem:$0x3FA6] =	sst s2  }
0xb: {  	[smem:$0x3FA7] =	sst s3  }
0xc: {  	[smem:$0x3FA8] =	sst s4  }
0xd: {  	[smem:$0x3FA9] =	sst s5  }
0xe: {  	[smem:$0x3FAA] =	sst s6  }
0xf: {  	[smem:$0x3FAB] =	sst s7  }
0x10: {  	[smem:$0x3FAC] =	sst s8  }
0x11: {  	[smem:$0x3FAD] =	sst s9;
	s0 =	simm.s32 @!p0 $0x0  }
0x12: {  	s1 =	sld [smem:$0x3F93];
	s0 =	simm.s32 @p0 $0x1  }
0x13: {  	[smem:$0x3FAE] =	sst s0;
	s0 =	simm.s32 @!p1 $0x0  }
0x14: {  	s2 =	sld [smem:$0x3F92];
	s0 =	simm.s32 @p1 $0x1  }
0x15: {  	[smem:$0x3FAF] =	sst s0;
	s0 =	simm.s32 @!p2 $0x0  }
0x16: {  	s3 =	sld [smem:$0x3FDB];
	s0 =	simm.s32 @p2 $0x1  }
0x17: {  	s4 =	simm.s32 $0x1BF5;
	[smem:$0x3FB1] =	sst s0  }
0x18: {  	s0 =	sld [smem:$0x3F94];
	_ =	swait.ge [sflag:s4], $0x0  }
0x19: {  	s7 =	sld [smem:$0x3F95]  }
0x1a: {  	s8 =	sadd.s32 $0xFFFFE003, lr  }
0x1b: {  	s9 =	sadd.s32 $0xFFFFFEF7, lr;
	s5 =	simm.s32 $0xFFFFFFFF;
	p2 =	slt.u32 s8, $0xFFFFF086  }
0x1c: {  	p1 =	slt.u32 s9, $0xF7A;
	s5 =	simm.s32 @!p2 $0x0  }
0x1d: {  	s5 =	simm.s32 @p1 $0x1;
	p0 =	seq.s32 s7, s2  }
0x1e: {  	s7 =	smul.u32 @!p0 $0xF7A, s2;
	p2 =	seq.s32 @!p0 s5, $0x0  }
0x1f: {  	s9 =	smul.u32 $0xF7A, s1;
	s8 =	simm.s32 @!p0 $0x1BF5;
	p2 =	por !p2, p0  }
0x20: {  	[sflag:s8] =	ssyncset.s32 @!p0 $0xFFFFF086;
	s6 =	sadd.s32 @!p0 s3, s7;
	s7 =	simm.s32 @!p0 $0x108  }
0x21: {  	s3 =	sadd.s32 s3, s9;
	s6 =	sadd.s32 @!p0 $0x88, s6;
	s7 =	simm.s32 @p2 $0x1082  }
0x22: {  	[simem:s7], [sflag:s8] =	dma.local @!p0 [hbm:s6], $0xF7A  }
0x23: {  	s9 =	sor.u32 $0xD0000000, s2;
	s6 =	simm.s32 $0x108;
	_ =	swait.ge @!p0 [sflag:s8], $0x0  }
0x24: {  	s3 =	sadd.s32 $0x88, s3;
	s6 =	simm.s32 @!p1 $0x1082;
	[sflag:s4] =	ssyncset.s32 $0xFFFFF086  }
0x25: {  	[simem:s6], [sflag:s4] =	dma.local [hbm:s3], $0xF7A  }
0x26: {  	[smem:$0x3F95] =	sst s1;
	(tag) =	ssettag s2;
	_ =	strace s9  }
0x27: {  	s1 =	sld [smem:$0x3FA5]  }
0x28: {  	s2 =	sld [smem:$0x3FA6]  }
0x29: {  	s4 =	sld [smem:$0x3FA8]  }
0x2a: {  	p0 =	seq.s32 s5, $0x0;
	s5 =	sld [smem:$0x3FA9]  }
0x2b: {  	s6 =	sld [smem:$0x3FAA]  }
0x2c: {  	s7 =	sld [smem:$0x3FAB]  }
0x2d: {  	s3 =	simm.s32 $0x108;
	s8 =	sld [smem:$0x3FAC]  }
0x2e: {  	s3 =	simm.s32 @!p0 $0x1082;
	s9 =	sld [smem:$0x3FAD]  }
0x2f: {  	lr =	sadd.s32 s0, s3;
	s0 =	sld [smem:$0x3FA4]  }
0x30: {  	s3 =	sld [smem:$0x3FA7]  }
0x31: {  	[smem:$0x3FB0] =	sst s10  }
0x32: {  	s10 =	sld [smem:$0x3FAE];
	_ =	sdelay $0x3  }
0x33: {  	p0 =	seq.s32 s10, $0x1;
	s10 =	sld [smem:$0x3FB0];
	_ =	sdelay $0x3  }
0x34: {  	[smem:$0x3FB0] =	sst s10  }
0x35: {  	s10 =	sld [smem:$0x3FAF];
	_ =	sdelay $0x3  }
0x36: {  	p1 =	seq.s32 s10, $0x1;
	s10 =	sld [smem:$0x3FB0];
	_ =	sdelay $0x3  }
0x37: {  	[smem:$0x3FB0] =	sst s10  }
0x38: {  	s10 =	sld [smem:$0x3FB1]  }
0x39: {  	_ = 	snop;
	(pc) =	sbr.ind lr, $3  }
0x3a: {  	_ = 	snop  }
0x3b: {  	_ = 	snop  }
0x3c: {  	p2 =	seq.s32 s10, $0x1;
	s10 =	sld [smem:$0x3FB0]  }
0x3d: {  	_ =	shalt  }
0x3e: {  	_ =	shalt  }
0x3f: {  	_ =	shalt  }
0x40: {  	_ =	shalt  }
0x41: {  	_ =	shalt  }
0x42: {  	_ =	shalt  }
0x43: {  	_ =	shalt  }
0x44: {  	_ =	shalt  }
0x45: {  	_ =	shalt  }
0x46: {  	_ =	shalt  }
0x47: {  	_ =	shalt  }
0x48: {  	_ =	shalt  }
0x49: {  	_ =	shalt  }
0x4a: {  	_ =	shalt  }
0x4b: {  	_ =	shalt  }
0x4c: {  	_ =	shalt  }
0x4d: {  	_ =	shalt  }
0x4e: {  	_ =	shalt  }
0x4f: {  	_ =	shalt  }
0x50: {  	_ =	shalt  }
0x51: {  	_ =	shalt  }
0x52: {  	_ =	shalt  }
0x53: {  	_ =	shalt  }
0x54: {  	_ =	shalt  }
0x55: {  	_ =	shalt  }
0x56: {  	_ =	shalt  }
0x57: {  	_ =	shalt  }
0x58: {  	_ =	shalt  }
0x59: {  	_ =	shalt  }
0x5a: {  	_ =	shalt  }
0x5b: {  	_ =	shalt  }
0x5c: {  	_ =	shalt  }
0x5d: {  	_ =	shalt  }
0x5e: {  	_ =	shalt  }
0x5f: {  	_ =	shalt  }
0x60: {  	_ =	shalt  }
0x61: {  	_ =	shalt  }
0x62: {  	_ =	shalt  }
0x63: {  	_ =	shalt  }
0x64: {  	_ =	shalt  }
0x65: {  	_ =	shalt  }
0x66: {  	_ =	shalt  }
0x67: {  	_ =	shalt  }
0x68: {  	_ =	shalt  }
0x69: {  	_ =	shalt  }
0x6a: {  	_ =	shalt  }
0x6b: {  	_ =	shalt  }
0x6c: {  	_ =	shalt  }
0x6d: {  	_ =	shalt  }
0x6e: {  	_ =	shalt  }
0x6f: {  	_ =	shalt  }
0x70: {  	_ =	shalt  }
0x71: {  	_ =	shalt  }
0x72: {  	_ =	shalt  }
0x73: {  	_ =	shalt  }
0x74: {  	_ =	shalt  }
0x75: {  	_ =	shalt  }
0x76: {  	_ =	shalt  }
0x77: {  	_ =	shalt  }
0x78: {  	_ =	shalt  }
0x79: {  	_ =	shalt  }
0x7a: {  	_ =	shalt  }
0x7b: {  	_ =	shalt  }
0x7c: {  	_ =	shalt  }
0x7d: {  	_ =	shalt  }
0x7e: {  	_ =	shalt  }
0x7f: {  	_ =	shalt  }
0x80: {  	_ =	shalt  }
0x81: {  	_ =	shalt  }
0x82: {  	_ =	shalt  }
0x83: {  	_ =	shalt  }
0x84: {  	_ =	shalt  }
0x85: {  	_ =	shalt  }
0x86: {  	_ =	shalt  }
0x87: {  	_ =	shalt  }
.Lfunc_end0:
.L_simem_size_0:
called_computation.1_lowered:
.L_overlay_start_0:
0x88: {  	s2 =	sld [smem:$0x3FD9]  }
0x89: {  	s3 =	sld [smem:$0x3FFE];
	_ =	sdelay $0x1  }
0x8a: {  	s1 =	srdreg.scid  }
0x8b: {  	s0 =	sand.u32 $0x1, s1  }
0x8c: {  	s14 =	sshll.u32 s0, $0xA;
	s2 =	sadd.s32 s3, s2  }
0x8d: {  	s2 =	sadd.s32 s2, s14  }
0x8e: {  	[smem:$0x3FBC] =	sst s2  }
0x8f: {  	_ = 	snop  }
0x90: {  	s2 =	sld [smem:$0x3FD0];
	_ =	sdelay $0x2  }
0x91: {  	s15 =	simm.s32 $0xA;
	s4 =	simm.s32 $0x10  }
0x92: {  	[smem:s4], [sflag:s15] =	dma.local [hbm:s2], $0x1  }
0x93: {  	_ =	swait.eq [sflag:s15], $0x1  }
0x94: {  	[sflag:s15] =	ssyncset.done $0x0  }
0x95: {  	[sflag:s15] =	ssyncadd.s32 $0xFFFFFFFF  }
0x96: {  	s16 =	sld [smem:$0x11];
	(tm) =	ssettm $0x1  }
0x97: {  	s17 =	sld [smem:$0x3FFB];
	_ =	sdelay $0x3  }
0x98: {  	_ =	strace s17  }
0x99: {  	s3 =	sld [smem:$0x3FFC];
	_ =	sdelay $0x3  }
0x9a: {  	_ =	strace s3  }
0x9b: {  	s3 =	sld [smem:$0x3FFD];
	_ =	sdelay $0x3  }
0x9c: {  	_ =	strace s3  }
0x9d: {  	_ =	strace $0x8FFFFFFF  }
0x9e: {  	s18 =	sld [smem:$0x3FDB];
	_ =	sdelay $0x1  }
0x9f: {  	s19 =	simm.s32 $_scs_section_size  }
0xa0: {  	s5 =	simm.s32 $_size__tile_overlayer_lowered;
	s6 =	simm.s32 $_tile_overlayer_lowered  }
0xa1: {  	s22 =	simm.s32 $0x1BFF;
	s21 =	sshll.u32 s6, $0x1;
	s3 =	sadd.s32 s19, s18  }
0xa2: {  	s7 =	simm.s32 $0x0;
	s20 =	sshll.u32 s5, $0x1;
	s5 =	sadd.s32 s21, s3  }
0xa3: {  	[timem:s7], [sflag:s22] =	dma.local [hbm:s5], s20  }
0xa4: {  	_ =	swait.ge [sflag:s22], s20  }
0xa5: {  	s4 =	ssub.s32 $0x0, s20;
	[sflag:s22] =	ssyncset.done $0x0  }
0xa6: {  	[sflag:s22] =	ssyncadd.s32 s4;
	_ =	sdelay $0x1  }
0xa7: {  	s23 =	simm.s32 $0x1B8B  }
0xa8: {  	_ =	swait.ge [sflag:s23], $0x1  }
0xa9: {  	[sflag:s23] =	ssyncset.done $0x0  }
0xaa: {  	s25 =	simm.s32 $0x1B8E;
	s24 =	sld [smem:$0x3FFE];
	[sflag:s23] =	ssyncadd.s32 $0xFFFFFFFF  }
0xab: {  	s26 =	simm.s32 $execute0_lowered;
	[smem:$0x3FD2] =	sst s25  }
0xac: {  	s5 =	sshll.u32 s26, $0x1;
	_ =	strace $0x80000049;
	[dreg:$0x1] =	wrdreg $0xFFFFFFFF  }
0xad: {  	s28 =	simm.s32 $_size_execute0_lowered;
	s3 =	sadd.s32 s3, s5;
	[dreg:$0x0] =	wrdreg $0x0  }
0xae: {  	s5 =	sshll.u32 s28, $0x1;
	[dreg:$0x2] =	wrdreg s3  }
0xaf: {  	[dreg:$0x3] =	wrdreg s5  }
0xb0: {  	[dreg:$0x4] =	wrdreg $0xC0  }
0xb1: {  	_ =	task [dreg:s7], $0x5FFFF  }
0xb2: {  	[dreg:$0x1] =	wrdreg $0xFFFFFFFF  }
0xb3: {  	[dreg:$0x0] =	wrdreg $0x60  }
0xb4: {  	[dreg:$0x2] =	wrdreg s16  }
0xb5: {  	[dreg:$0x3] =	wrdreg s24  }
0xb6: {  	[dreg:$0x4] =	wrdreg $0xA8000  }
0xb7: {  	[dreg:$0x5] =	wrdreg $0x9  }
0xb8: {  	_ =	task.clear_ibuf [dreg:s7], $0x6FFFF;
	_ =	strace $0x90000049  }
0xb9: {  	s29 =	simm.s32 $0x9;
	_ =	strace $0x8000004B  }
0xba: {  	_ =	swait.ge [sflag:s29], $0x1  }
0xbb: {  	[sflag:s29] =	ssyncadd.s32 $0xFFFFFFFF  }
0xbc: {  	_ =	strace $0x9000004B  }
0xbd: {  	_ =	sfence  }
0xbe: {  	s30 =	sld [smem:$0x0];
	_ =	sdelay $0x2  }
0xbf: {  	s31 =	sshll.u32 s1, $0xD;
	s1 =	sshrl.u32 s1, $0x2  }
0xc0: {  	s3 =	sand.u32 $0x4000, s31;
	s1 =	sadd.s32 s1, s30  }
0xc1: {  	s0 =	sor.u32 s3, s0;
	s1 =	sshll.u32 s1, $0x11  }
0xc2: {  	s0 =	sor.u32 s1, s0  }
0xc3: {  	s0 =	sadd.s32 $0x8F2B, s0  }
0xc4: {  	[sflag:s0] =	ssyncadd.remote.s32 $0x1  }
0xc5: {  	_ =	sfence.sel $0xFFFF  }
0xc6: {  	[dreg:$0x0] =	wrdreg $0xFFFFFFFF;
	(pc) =	sbr.abs _section_cstart, $3  }
0xc7: {  	[dreg:$0x1] =	wrdreg $0xFFFFFFFF  }
0xc8: {  	_ =	task.clear_ibuf [dreg:s7], $0x2FFFF;
	_ =	strace $0x9FFFFFFF  }
0xc9: {  	(tm) =	ssettm $0x7FFFFFFF  }
tec
execute0_lowered:
.L_overlay_start_1:
0x0: {  	(tag) =	ssettag $0x1  }
0x1: {  	s1 =	rddreg [dreg:$0x0]  }
0x2: {  	s5 =	rddreg [dreg:$0x1]  }
0x3: {  	s2 =	rddreg [dreg:$0x2];
	s3 =	srdreg.scid  }
0x4: {  	s0 =	rddreg [dreg:$0x3];
	s11 =	stileid.u32  }
0x5: {  	s14 =	simm.s32 $0x9400;
	s15 =	simm.s32 $0x80;
	s16 =	simm.s32 $0x1  }
0x6: {  	s17 =	simm.s32 $0x4000;
	s18 =	simm.s32 $0x2;
	s19 =	simm.s32 $0x9380  }
0x7: {  	s20 =	simm.s32 $0xA700;
	s21 =	simm.s32 $0xA780;
	s22 =	simm.s32 $0x0  }
0x8: {  	s6 =	sand.u32 $0x1, s3;
	s3 =	simm.s32 $0x0;
	s8 =	sadd.s32 $0x83800, s5  }
0x9: {  	s10 =	sadd.s32 $0x3000, s5;
	p0 =	sne.s32 s11, $0x0;
	s4 =	sshll.u32 s6, $0x4  }
0xa: {  	[smem:$0x7FF] =	sst s3;
	s7 =	smul.u32 $0x27800, s6;
	s4 =	sor.u32 s11, s4  }
0xb: {  	s6 =	ssub.s32 $0x2, s6;
	_ =	strace $0x8000004A;
	s9 =	smul.u32 $0x2800, s4  }
0xc: {  	s30 =	sshrl.u32 s6, $0x1;
	s11 =	sshrl.u32 @!p0 s2, $0x3;
	s4 =	sadd.s32 $0xD000, s5  }
0xd: {  	s12 =	sadd.s32 s7, s5;
	s13 =	ssub.s32 s6, s30;
	s31 =	sshrl.u32 s9, $0x3  }
0xe: {  	s5 =	sadd.s32 s8, s31;
	s9 =	sadd.s32 $0x280, s31;
	s6 =	sadd.s32 s10, s31  }
0xf: {  	s7 =	sadd.s32 s8, s9;
	s8 =	sadd.s32 s10, s9;
	s9 =	sadd.s32 $0x34800, s12  }
0x10: {  	s10 =	smax.u32 s13, $0x1;
	s12 =	simm.s32 $0x8000;
	s13 =	simm.s32 $0x3  }
.LBB2_1:
0x11: {  	s23 =	simm.s32 @!p0 $0x1C03  }
0x12: {  	[spmem:s11], [sflag:s23] =	dma.local @!p0 [hbm:s4], $0x27800  }
0x13: {  	s23 =	simm.s32 @!p0 $0x3  }
0x14: {  	_ =	swait.ge @!p0 [sflag:s23], $0x27800  }
0x15: {  	[sflag:s23] =	ssyncset.done @!p0 $0x0  }
0x16: {  	[sflag:s23] =	ssyncadd.s32 @!p0 $0xFFFD8800  }
0x17: {  	[bflag:$0x0] =	sbarrier.arrive $0xFFFF  }
0x18: {  	[tilespmem:s12], [sflag:$0x3] =	stream.linear.gather [hbm4b:s5+s3], $0x1400, $0x38;
	[tilespmem:$0x1E400] =	vst v63  }
0x19: {  	_ =	swait.ge [sflag:s13], $0x1400  }
0x1a: {  	[sflag:s13] =	ssyncset.done $0x0  }
0x1b: {  	[sflag:s13] =	ssyncadd.s32 $0xFFFFEC00  }
0x1c: {  	[tilespmem:s14], [sflag:$0x3] =	stream.linear.gather [hbm4b:s6+s3], $0x1400, $0x38;
	[tilespmem:$0x1E400] =	vst v63  }
0x1d: {  	_ =	swait.ge [sflag:s13], $0x1400  }
0x1e: {  	[sflag:s13] =	ssyncset.done $0x0  }
0x1f: {  	[sflag:s13] =	ssyncadd.s32 $0xFFFFEC00  }
0x20: {  	[tilespmem:s3], [sflag:$0x1] =	stream.indirect.gather [hbm4b:s1+s15], $0x80, s12, s15, $0xb8;
	[tilespmem:$0x1E400] =	vst v63  }
0x21: {  	_ =	swait.ge [sflag:s16], $0x4000  }
0x22: {  	[sflag:s16] =	ssyncset.done $0x0  }
0x23: {  	s28 =	simm.s32 $0x8080;
	[sflag:s16] =	ssyncadd.s32 $0xFFFFC000  }
0x24: {  	[tilespmem:s17], [sflag:$0x2] =	stream.indirect.gather [hbm4b:s1+s15], $0x80, s28, s15, $0xb8;
	[tilespmem:$0x1E400] =	vst v63  }
0x25: {  	s29 =	simm.s32 $0x9400  }
0x26: {  	[spmem:s2] =	stream.indirect.scatter.add.f32 [tilespmem:s3], [sflag:$0x3], $0x80, s29, s15, $0xb8;
	[tilespmem:$0x1E400] =	vst v63  }
0x27: {  	_ =	swait.ge [sflag:s13], $0x4000  }
0x28: {  	[sflag:s13] =	ssyncset.done $0x0  }
0x29: {  	[sflag:s13] =	ssyncadd.s32 $0xFFFFC000  }
0x2a: {  	_ =	swait.ge [sflag:s18], $0x4000  }
0x2b: {  	[sflag:s18] =	ssyncset.done $0x0  }
0x2c: {  	s30 =	simm.s32 $0x8100;
	[sflag:s18] =	ssyncadd.s32 $0xFFFFC000  }
0x2d: {  	[tilespmem:s3], [sflag:$0x1] =	stream.indirect.gather [hbm4b:s1+s15], $0x80, s30, s15, $0xb8;
	[tilespmem:$0x1E400] =	vst v63  }
0x2e: {  	s31 =	simm.s32 $0x9480  }
0x2f: {  	[spmem:s2] =	stream.indirect.scatter.add.f32 [tilespmem:s17], [sflag:$0x3], $0x80, s31, s15, $0xb8;
	[tilespmem:$0x1E400] =	vst v63  }
0x30: {  	_ =	swait.ge [sflag:s13], $0x4000  }
0x31: {  	s23 =	simm.s32 $0x400;
	[sflag:s13] =	ssyncset.done $0x0  }
.LBB2_2:
0x32: {  	p1 =	sne.s32 s23, $0x4800  }
0x33: {  	[sflag:s13] =	ssyncadd.s32 $0xFFFFC000;
	s24 =	smov.u32 s23;
	s23 =	sadd.s32 $0x400, s23  }
0x34: {  	_ = 	snop  }
0x35: {  	_ =	swait.ge [sflag:s16], $0x4000  }
0x36: {  	s24 =	sshra.s32 s24, $0x2;
	[sflag:s16] =	ssyncset.done $0x0  }
0x37: {  	s25 =	sadd.s32 $0x8080, s24;
	[sflag:s16] =	ssyncadd.s32 $0xFFFFC000  }
0x38: {  	[tilespmem:s17], [sflag:$0x2] =	stream.indirect.gather [hbm4b:s1+s15], $0x80, s25, s15, $0xb8;
	[tilespmem:$0x1E400] =	vst v63  }
0x39: {  	s25 =	sadd.s32 $0x9400, s24  }
0x3a: {  	[spmem:s2] =	stream.indirect.scatter.add.f32 [tilespmem:s3], [sflag:$0x3], $0x80, s25, s15, $0xb8;
	[tilespmem:$0x1E400] =	vst v63  }
0x3b: {  	_ =	swait.ge [sflag:s13], $0x4000  }
0x3c: {  	[sflag:s13] =	ssyncset.done $0x0  }
0x3d: {  	[sflag:s13] =	ssyncadd.s32 $0xFFFFC000  }
0x3e: {  	_ =	swait.ge [sflag:s18], $0x4000  }
0x3f: {  	[sflag:s18] =	ssyncset.done $0x0  }
0x40: {  	s25 =	sadd.s32 $0x8100, s24;
	[sflag:s18] =	ssyncadd.s32 $0xFFFFC000  }
0x41: {  	[tilespmem:s3], [sflag:$0x1] =	stream.indirect.gather [hbm4b:s1+s15], $0x80, s25, s15, $0xb8;
	[tilespmem:$0x1E400] =	vst v63  }
.Ltmp0:
0x42: {  	_ = 	snop;
	(pc) =	sbr.rel @p1 .LBB2_2-.Ltmp0, $4  }
0x43: {  	s24 =	sadd.s32 $0x9480, s24  }
0x44: {  	[spmem:s2] =	stream.indirect.scatter.add.f32 [tilespmem:s17], [sflag:$0x3], $0x80, s24, s15, $0xb8;
	[tilespmem:$0x1E400] =	vst v63  }
0x45: {  	_ =	swait.ge [sflag:s13], $0x4000  }
0x46: {  	[sflag:s13] =	ssyncset.done $0x0  }
0x47: {  	[sflag:s13] =	ssyncadd.s32 $0xFFFFC000  }
0x48: {  	_ =	swait.ge [sflag:s16], $0x4000  }
0x49: {  	[sflag:s16] =	ssyncset.done $0x0  }
0x4a: {  	[sflag:s16] =	ssyncadd.s32 $0xFFFFC000  }
0x4b: {  	[tilespmem:s17], [sflag:$0x2] =	stream.indirect.gather [hbm4b:s1+s15], $0x80, s19, s15, $0xb8;
	[tilespmem:$0x1E400] =	vst v63  }
0x4c: {  	s23 =	simm.s32 $0x0  }
0x4d: {  	[spmem:s2] =	stream.indirect.scatter.add.f32 [tilespmem:s23], [sflag:$0x3], $0x80, s20, s15, $0xb8;
	[tilespmem:$0x1E400] =	vst v63  }
0x4e: {  	_ =	swait.ge [sflag:s13], $0x4000  }
0x4f: {  	[sflag:s13] =	ssyncset.done $0x0  }
0x50: {  	[sflag:s13] =	ssyncadd.s32 $0xFFFFC000  }
0x51: {  	_ =	swait.ge [sflag:s18], $0x4000  }
0x52: {  	[sflag:s18] =	ssyncset.done $0x0  }
0x53: {  	[sflag:s18] =	ssyncadd.s32 $0xFFFFC000  }
0x54: {  	[spmem:s2] =	stream.indirect.scatter.add.f32 [tilespmem:s17], [sflag:$0x3], $0x80, s21, s15, $0xb8;
	[tilespmem:$0x1E400] =	vst v63  }
0x55: {  	_ =	swait.ge [sflag:s13], $0x4000  }
0x56: {  	[sflag:s13] =	ssyncset.done $0x0  }
0x57: {  	[sflag:s13] =	ssyncadd.s32 $0xFFFFC000  }
0x58: {  	[tilespmem:s12], [sflag:$0x3] =	stream.linear.gather [hbm4b:s7+s23], $0x1400, $0x38;
	[tilespmem:$0x1E400] =	vst v63  }
0x59: {  	_ =	swait.ge [sflag:s13], $0x1400  }
0x5a: {  	[sflag:s13] =	ssyncset.done $0x0  }
0x5b: {  	[sflag:s13] =	ssyncadd.s32 $0xFFFFEC00  }
0x5c: {  	[tilespmem:s14], [sflag:$0x3] =	stream.linear.gather [hbm4b:s8+s23], $0x1400, $0x38;
	[tilespmem:$0x1E400] =	vst v63  }
0x5d: {  	_ =	swait.ge [sflag:s13], $0x1400  }
0x5e: {  	[sflag:s13] =	ssyncset.done $0x0  }
0x5f: {  	[sflag:s13] =	ssyncadd.s32 $0xFFFFEC00  }
0x60: {  	[tilespmem:s23], [sflag:$0x1] =	stream.indirect.gather [hbm4b:s1+s15], $0x80, s12, s15, $0xb8;
	[tilespmem:$0x1E400] =	vst v63  }
0x61: {  	_ =	swait.ge [sflag:s16], $0x4000  }
0x62: {  	[sflag:s16] =	ssyncset.done $0x0  }
0x63: {  	s28 =	simm.s32 $0x8080;
	[sflag:s16] =	ssyncadd.s32 $0xFFFFC000  }
0x64: {  	[tilespmem:s17], [sflag:$0x2] =	stream.indirect.gather [hbm4b:s1+s15], $0x80, s28, s15, $0xb8;
	[tilespmem:$0x1E400] =	vst v63  }
0x65: {  	s29 =	simm.s32 $0x9400  }
0x66: {  	[spmem:s2] =	stream.indirect.scatter.add.f32 [tilespmem:s3], [sflag:$0x3], $0x80, s29, s15, $0xb8;
	[tilespmem:$0x1E400] =	vst v63  }
0x67: {  	_ =	swait.ge [sflag:s13], $0x4000  }
0x68: {  	[sflag:s13] =	ssyncset.done $0x0  }
0x69: {  	[sflag:s13] =	ssyncadd.s32 $0xFFFFC000  }
0x6a: {  	_ =	swait.ge [sflag:s18], $0x4000  }
0x6b: {  	[sflag:s18] =	ssyncset.done $0x0  }
0x6c: {  	s30 =	simm.s32 $0x8100;
	[sflag:s18] =	ssyncadd.s32 $0xFFFFC000  }
0x6d: {  	[tilespmem:s3], [sflag:$0x1] =	stream.indirect.gather [hbm4b:s1+s15], $0x80, s30, s15, $0xb8;
	[tilespmem:$0x1E400] =	vst v63  }
0x6e: {  	s31 =	simm.s32 $0x9480  }
0x6f: {  	[spmem:s2] =	stream.indirect.scatter.add.f32 [tilespmem:s17], [sflag:$0x3], $0x80, s31, s15, $0xb8;
	[tilespmem:$0x1E400] =	vst v63  }
0x70: {  	_ =	swait.ge [sflag:s13], $0x4000  }
0x71: {  	s23 =	simm.s32 $0x400;
	[sflag:s13] =	ssyncset.done $0x0  }
.LBB2_4:
0x72: {  	p1 =	sne.s32 s23, $0x4800  }
0x73: {  	[sflag:s13] =	ssyncadd.s32 $0xFFFFC000;
	s24 =	smov.u32 s23;
	s23 =	sadd.s32 $0x400, s23  }
0x74: {  	_ = 	snop  }
0x75: {  	_ =	swait.ge [sflag:s16], $0x4000  }
0x76: {  	s24 =	sshra.s32 s24, $0x2;
	[sflag:s16] =	ssyncset.done $0x0  }
0x77: {  	s25 =	sadd.s32 $0x8080, s24;
	[sflag:s16] =	ssyncadd.s32 $0xFFFFC000  }
0x78: {  	[tilespmem:s17], [sflag:$0x2] =	stream.indirect.gather [hbm4b:s1+s15], $0x80, s25, s15, $0xb8;
	[tilespmem:$0x1E400] =	vst v63  }
0x79: {  	s25 =	sadd.s32 $0x9400, s24  }
0x7a: {  	[spmem:s2] =	stream.indirect.scatter.add.f32 [tilespmem:s3], [sflag:$0x3], $0x80, s25, s15, $0xb8;
	[tilespmem:$0x1E400] =	vst v63  }
0x7b: {  	_ =	swait.ge [sflag:s13], $0x4000  }
0x7c: {  	[sflag:s13] =	ssyncset.done $0x0  }
0x7d: {  	[sflag:s13] =	ssyncadd.s32 $0xFFFFC000  }
0x7e: {  	_ =	swait.ge [sflag:s18], $0x4000  }
0x7f: {  	[sflag:s18] =	ssyncset.done $0x0  }
0x80: {  	s25 =	sadd.s32 $0x8100, s24;
	[sflag:s18] =	ssyncadd.s32 $0xFFFFC000  }
0x81: {  	[tilespmem:s3], [sflag:$0x1] =	stream.indirect.gather [hbm4b:s1+s15], $0x80, s25, s15, $0xb8;
	[tilespmem:$0x1E400] =	vst v63  }
.Ltmp1:
0x82: {  	_ = 	snop;
	(pc) =	sbr.rel @p1 .LBB2_4-.Ltmp1, $4  }
0x83: {  	s24 =	sadd.s32 $0x9480, s24  }
0x84: {  	[spmem:s2] =	stream.indirect.scatter.add.f32 [tilespmem:s17], [sflag:$0x3], $0x80, s24, s15, $0xb8;
	[tilespmem:$0x1E400] =	vst v63  }
0x85: {  	_ =	swait.ge [sflag:s13], $0x4000  }
0x86: {  	[sflag:s13] =	ssyncset.done $0x0  }
0x87: {  	[sflag:s13] =	ssyncadd.s32 $0xFFFFC000  }
0x88: {  	_ =	swait.ge [sflag:s16], $0x4000  }
0x89: {  	[sflag:s16] =	ssyncset.done $0x0  }
0x8a: {  	[sflag:s16] =	ssyncadd.s32 $0xFFFFC000  }
0x8b: {  	[tilespmem:s17], [sflag:$0x2] =	stream.indirect.gather [hbm4b:s1+s15], $0x80, s19, s15, $0xb8;
	[tilespmem:$0x1E400] =	vst v63  }
0x8c: {  	_ = 	snop  }
0x8d: {  	[spmem:s2] =	stream.indirect.scatter.add.f32 [tilespmem:s3], [sflag:$0x3], $0x80, s20, s15, $0xb8;
	[tilespmem:$0x1E400] =	vst v63  }
0x8e: {  	_ =	swait.ge [sflag:s13], $0x4000  }
0x8f: {  	[sflag:s13] =	ssyncset.done $0x0  }
0x90: {  	[sflag:s13] =	ssyncadd.s32 $0xFFFFC000  }
0x91: {  	_ =	swait.ge [sflag:s18], $0x4000  }
0x92: {  	[sflag:s18] =	ssyncset.done $0x0  }
0x93: {  	[sflag:s18] =	ssyncadd.s32 $0xFFFFC000  }
0x94: {  	[spmem:s2] =	stream.indirect.scatter.add.f32 [tilespmem:s17], [sflag:$0x3], $0x80, s21, s15, $0xb8;
	[tilespmem:$0x1E400] =	vst v63  }
0x95: {  	_ =	swait.ge [sflag:s13], $0x4000  }
0x96: {  	[sflag:s13] =	ssyncset.done $0x0  }
0x97: {  	s22 =	sadd.s32 $0x1, s22;
	[sflag:s13] =	ssyncadd.s32 $0xFFFFC000  }
0x98: {  	s23 =	simm.s32 @!p0 $0x1C03;
	p1 =	sne.s32 s22, s10;
	[bflag:$0x0] =	sbarrier.arrive $0xFFFF  }
0x99: {  	[hbm:s9], [sflag:s23] =	dma.local @!p0 [spmem:s11], $0x27800  }
.Ltmp2:
0x9a: {  	_ = 	snop;
	(pc) =	sbr.rel @p1 .LBB2_1-.Ltmp2, $4  }
0x9b: {  	s23 =	simm.s32 @!p0 $0x3  }
0x9c: {  	_ =	swait.ge @!p0 [sflag:s23], $0x27800  }
0x9d: {  	[sflag:s23] =	ssyncset.done @!p0 $0x0  }
0x9e: {  	[sflag:s23] =	ssyncadd.s32 @!p0 $0xFFFD8800  }
0x9f: {  	_ =	sfence.sel $0x180000  }
0xa0: {  	[bflag:$0x0] =	sbarrier.arrive $0xFFFF  }
0xa1: {  	_ =	strace $0x9000004A  }
0xa2: {  	s0 =	sadd.s32 @!p0 $0x100000, s0;
	[bflag:$0x2] =	sbarrier.arrive $0xFFFF  }
0xa3: {  	[sflag:s0] =	ssyncadd.tile.s32 @!p0 $0x1;
	_ =	shalt  }
.Lfunc_end2:
_tile_overlayer_lowered:
.L_overlay_start_2:
0xa4: {  	(tag) =	ssettag $0x2  }
0xa5: {  	s0 =	rddreg [dreg:$0x0];
	s2 =	stileid.u32  }
0xa6: {  	s1 =	rddreg [dreg:$0x1];
	p0 =	sne.s32 s2, $0x0  }
0xa7: {  	s3 =	rddreg [dreg:$0x2];
	[bflag:$0x3] =	sbarrier.arrive $0xFFFF;
	s2 =	simm.s32 @!p0 $0x1C03  }
0xa8: {  	[timem:s3], [sflag:s2] =	dma.local @!p0 [hbm:s0], s1  }
0xa9: {  	s0 =	simm.s32 @!p0 $0x3  }
0xaa: {  	_ =	swait.ge @!p0 [sflag:s0], s1  }
0xab: {  	s1 =	ssub.s32 @!p0 $0x0, s1;
	[sflag:s0] =	ssyncset.done @!p0 $0x0  }
0xac: {  	[sflag:s0] =	ssyncadd.s32 @!p0 s1  }
0xad: {  	[bflag:$0x3] =	sbarrier.arrive $0xFFFF  }
0xae: {  	_ =	shalt  }

// kernel: kernel.16.cloned.1.call-start
scs
__scs_entry_jumppad:
0x0: {  	(pc) =	sbr.rel $0x88, $3  }
0x1: {  	(tag) =	ssettag $0x0;
	lr =	simm.s32 $0x1  }
0x2: {  	[smem:$0x3F95] =	sst lr;
	_ =	strace $0xD0000000  }
0x3: {  	_ = 	snop  }
0x4: {  	_ = 	snop  }
0x5: {  	_ = 	snop  }
0x6: {  	_ = 	snop  }
0x7: {  	_ = 	snop  }
__scs_overlays_trampoline_lowered:
0x8: {  	[smem:$0x3FA4] =	sst s0  }
0x9: {  	[smem:$0x3FA5] =	sst s1  }
0xa: {  	[smem:$0x3FA6] =	sst s2  }
0xb: {  	[smem:$0x3FA7] =	sst s3  }
0xc: {  	[smem:$0x3FA8] =	sst s4  }
0xd: {  	[smem:$0x3FA9] =	sst s5  }
0xe: {  	[smem:$0x3FAA] =	sst s6  }
0xf: {  	[smem:$0x3FAB] =	sst s7  }
0x10: {  	[smem:$0x3FAC] =	sst s8  }
0x11: {  	[smem:$0x3FAD] =	sst s9;
	s0 =	simm.s32 @!p0 $0x0  }
0x12: {  	s1 =	sld [smem:$0x3F93];
	s0 =	simm.s32 @p0 $0x1  }
0x13: {  	[smem:$0x3FAE] =	sst s0;
	s0 =	simm.s32 @!p1 $0x0  }
0x14: {  	s2 =	sld [smem:$0x3F92];
	s0 =	simm.s32 @p1 $0x1  }
0x15: {  	[smem:$0x3FAF] =	sst s0;
	s0 =	simm.s32 @!p2 $0x0  }
0x16: {  	s3 =	sld [smem:$0x3FDB];
	s0 =	simm.s32 @p2 $0x1  }
0x17: {  	s4 =	simm.s32 $0x1BF5;
	[smem:$0x3FB1] =	sst s0  }
0x18: {  	s0 =	sld [smem:$0x3F94];
	_ =	swait.ge [sflag:s4], $0x0  }
0x19: {  	s7 =	sld [smem:$0x3F95]  }
0x1a: {  	s8 =	sadd.s32 $0xFFFFE003, lr  }
0x1b: {  	s9 =	sadd.s32 $0xFFFFFEF7, lr;
	s5 =	simm.s32 $0xFFFFFFFF;
	p2 =	slt.u32 s8, $0xFFFFF086  }
0x1c: {  	p1 =	slt.u32 s9, $0xF7A;
	s5 =	simm.s32 @!p2 $0x0  }
0x1d: {  	s5 =	simm.s32 @p1 $0x1;
	p0 =	seq.s32 s7, s2  }
0x1e: {  	s7 =	smul.u32 @!p0 $0xF7A, s2;
	p2 =	seq.s32 @!p0 s5, $0x0  }
0x1f: {  	s9 =	smul.u32 $0xF7A, s1;
	s8 =	simm.s32 @!p0 $0x1BF5;
	p2 =	por !p2, p0  }
0x20: {  	[sflag:s8] =	ssyncset.s32 @!p0 $0xFFFFF086;
	s6 =	sadd.s32 @!p0 s3, s7;
	s7 =	simm.s32 @!p0 $0x108  }
0x21: {  	s3 =	sadd.s32 s3, s9;
	s6 =	sadd.s32 @!p0 $0x88, s6;
	s7 =	simm.s32 @p2 $0x1082  }
0x22: {  	[simem:s7], [sflag:s8] =	dma.local @!p0 [hbm:s6], $0xF7A  }
0x23: {  	s9 =	sor.u32 $0xD0000000, s2;
	s6 =	simm.s32 $0x108;
	_ =	swait.ge @!p0 [sflag:s8], $0x0  }
0x24: {  	s3 =	sadd.s32 $0x88, s3;
	s6 =	simm.s32 @!p1 $0x1082;
	[sflag:s4] =	ssyncset.s32 $0xFFFFF086  }
0x25: {  	[simem:s6], [sflag:s4] =	dma.local [hbm:s3], $0xF7A  }
0x26: {  	[smem:$0x3F95] =	sst s1;
	(tag) =	ssettag s2;
	_ =	strace s9  }
0x27: {  	s1 =	sld [smem:$0x3FA5]  }
0x28: {  	s2 =	sld [smem:$0x3FA6]  }
0x29: {  	s4 =	sld [smem:$0x3FA8]  }
0x2a: {  	p0 =	seq.s32 s5, $0x0;
	s5 =	sld [smem:$0x3FA9]  }
0x2b: {  	s6 =	sld [smem:$0x3FAA]  }
0x2c: {  	s7 =	sld [smem:$0x3FAB]  }
0x2d: {  	s3 =	simm.s32 $0x108;
	s8 =	sld [smem:$0x3FAC]  }
0x2e: {  	s3 =	simm.s32 @!p0 $0x1082;
	s9 =	sld [smem:$0x3FAD]  }
0x2f: {  	lr =	sadd.s32 s0, s3;
	s0 =	sld [smem:$0x3FA4]  }
0x30: {  	s3 =	sld [smem:$0x3FA7]  }
0x31: {  	[smem:$0x3FB0] =	sst s10  }
0x32: {  	s10 =	sld [smem:$0x3FAE];
	_ =	sdelay $0x3  }
0x33: {  	p0 =	seq.s32 s10, $0x1;
	s10 =	sld [smem:$0x3FB0];
	_ =	sdelay $0x3  }
0x34: {  	[smem:$0x3FB0] =	sst s10  }
0x35: {  	s10 =	sld [smem:$0x3FAF];
	_ =	sdelay $0x3  }
0x36: {  	p1 =	seq.s32 s10, $0x1;
	s10 =	sld [smem:$0x3FB0];
	_ =	sdelay $0x3  }
0x37: {  	[smem:$0x3FB0] =	sst s10  }
0x38: {  	s10 =	sld [smem:$0x3FB1]  }
0x39: {  	_ = 	snop;
	(pc) =	sbr.ind lr, $3  }
0x3a: {  	_ = 	snop  }
0x3b: {  	_ = 	snop  }
0x3c: {  	p2 =	seq.s32 s10, $0x1;
	s10 =	sld [smem:$0x3FB0]  }
0x3d: {  	_ =	shalt  }
0x3e: {  	_ =	shalt  }
0x3f: {  	_ =	shalt  }
0x40: {  	_ =	shalt  }
0x41: {  	_ =	shalt  }
0x42: {  	_ =	shalt  }
0x43: {  	_ =	shalt  }
0x44: {  	_ =	shalt  }
0x45: {  	_ =	shalt  }
0x46: {  	_ =	shalt  }
0x47: {  	_ =	shalt  }
0x48: {  	_ =	shalt  }
0x49: {  	_ =	shalt  }
0x4a: {  	_ =	shalt  }
0x4b: {  	_ =	shalt  }
0x4c: {  	_ =	shalt  }
0x4d: {  	_ =	shalt  }
0x4e: {  	_ =	shalt  }
0x4f: {  	_ =	shalt  }
0x50: {  	_ =	shalt  }
0x51: {  	_ =	shalt  }
0x52: {  	_ =	shalt  }
0x53: {  	_ =	shalt  }
0x54: {  	_ =	shalt  }
0x55: {  	_ =	shalt  }
0x56: {  	_ =	shalt  }
0x57: {  	_ =	shalt  }
0x58: {  	_ =	shalt  }
0x59: {  	_ =	shalt  }
0x5a: {  	_ =	shalt  }
0x5b: {  	_ =	shalt  }
0x5c: {  	_ =	shalt  }
0x5d: {  	_ =	shalt  }
0x5e: {  	_ =	shalt  }
0x5f: {  	_ =	shalt  }
0x60: {  	_ =	shalt  }
0x61: {  	_ =	shalt  }
0x62: {  	_ =	shalt  }
0x63: {  	_ =	shalt  }
0x64: {  	_ =	shalt  }
0x65: {  	_ =	shalt  }
0x66: {  	_ =	shalt  }
0x67: {  	_ =	shalt  }
0x68: {  	_ =	shalt  }
0x69: {  	_ =	shalt  }
0x6a: {  	_ =	shalt  }
0x6b: {  	_ =	shalt  }
0x6c: {  	_ =	shalt  }
0x6d: {  	_ =	shalt  }
0x6e: {  	_ =	shalt  }
0x6f: {  	_ =	shalt  }
0x70: {  	_ =	shalt  }
0x71: {  	_ =	shalt  }
0x72: {  	_ =	shalt  }
0x73: {  	_ =	shalt  }
0x74: {  	_ =	shalt  }
0x75: {  	_ =	shalt  }
0x76: {  	_ =	shalt  }
0x77: {  	_ =	shalt  }
0x78: {  	_ =	shalt  }
0x79: {  	_ =	shalt  }
0x7a: {  	_ =	shalt  }
0x7b: {  	_ =	shalt  }
0x7c: {  	_ =	shalt  }
0x7d: {  	_ =	shalt  }
0x7e: {  	_ =	shalt  }
0x7f: {  	_ =	shalt  }
0x80: {  	_ =	shalt  }
0x81: {  	_ =	shalt  }
0x82: {  	_ =	shalt  }
0x83: {  	_ =	shalt  }
0x84: {  	_ =	shalt  }
0x85: {  	_ =	shalt  }
0x86: {  	_ =	shalt  }
0x87: {  	_ =	shalt  }
.Lfunc_end0:
.L_simem_size_0:
called_computation.2_lowered:
.L_overlay_start_0:
0x88: {  	s2 =	sld [smem:$0x3FD9]  }
0x89: {  	s3 =	sld [smem:$0x3FFE];
	_ =	sdelay $0x1  }
0x8a: {  	s1 =	srdreg.scid  }
0x8b: {  	s0 =	sand.u32 $0x1, s1  }
0x8c: {  	s14 =	sshll.u32 s0, $0xA;
	s2 =	sadd.s32 s3, s2  }
0x8d: {  	s2 =	sadd.s32 s2, s14  }
0x8e: {  	[smem:$0x3FBC] =	sst s2  }
0x8f: {  	_ = 	snop  }
0x90: {  	s2 =	sld [smem:$0x3FD0];
	_ =	sdelay $0x2  }
0x91: {  	s15 =	simm.s32 $0xA;
	s4 =	simm.s32 $0x10  }
0x92: {  	[smem:s4], [sflag:s15] =	dma.local [hbm:s2], $0x1  }
0x93: {  	_ =	swait.eq [sflag:s15], $0x1  }
0x94: {  	[sflag:s15] =	ssyncset.done $0x0  }
0x95: {  	[sflag:s15] =	ssyncadd.s32 $0xFFFFFFFF  }
0x96: {  	s16 =	sld [smem:$0x11];
	(tm) =	ssettm $0x1  }
0x97: {  	s17 =	sld [smem:$0x3FFB];
	_ =	sdelay $0x3  }
0x98: {  	_ =	strace s17  }
0x99: {  	s3 =	sld [smem:$0x3FFC];
	_ =	sdelay $0x3  }
0x9a: {  	_ =	strace s3  }
0x9b: {  	s3 =	sld [smem:$0x3FFD];
	_ =	sdelay $0x3  }
0x9c: {  	_ =	strace s3  }
0x9d: {  	_ =	strace $0x8FFFFFFF  }
0x9e: {  	s18 =	sld [smem:$0x3FDB];
	_ =	sdelay $0x1  }
0x9f: {  	s19 =	simm.s32 $_scs_section_size  }
0xa0: {  	s5 =	simm.s32 $_size__tile_overlayer_lowered;
	s6 =	simm.s32 $_tile_overlayer_lowered  }
0xa1: {  	s22 =	simm.s32 $0x1BFF;
	s21 =	sshll.u32 s6, $0x1;
	s3 =	sadd.s32 s19, s18  }
0xa2: {  	s7 =	simm.s32 $0x0;
	s20 =	sshll.u32 s5, $0x1;
	s5 =	sadd.s32 s21, s3  }
0xa3: {  	[timem:s7], [sflag:s22] =	dma.local [hbm:s5], s20  }
0xa4: {  	_ =	swait.ge [sflag:s22], s20  }
0xa5: {  	s4 =	ssub.s32 $0x0, s20;
	[sflag:s22] =	ssyncset.done $0x0  }
0xa6: {  	[sflag:s22] =	ssyncadd.s32 s4;
	_ =	sdelay $0x1  }
0xa7: {  	s23 =	simm.s32 $0x1B8B  }
0xa8: {  	_ =	swait.ge [sflag:s23], $0x1  }
0xa9: {  	[sflag:s23] =	ssyncset.done $0x0  }
0xaa: {  	s25 =	simm.s32 $0x1B8E;
	s24 =	sld [smem:$0x3FFE];
	[sflag:s23] =	ssyncadd.s32 $0xFFFFFFFF  }
0xab: {  	s26 =	simm.s32 $execute0_lowered;
	[smem:$0x3FD2] =	sst s25  }
0xac: {  	s5 =	sshll.u32 s26, $0x1;
	_ =	strace $0x8000004C;
	[dreg:$0x1] =	wrdreg $0xFFFFFFFF  }
0xad: {  	s28 =	simm.s32 $_size_execute0_lowered;
	s3 =	sadd.s32 s3, s5;
	[dreg:$0x0] =	wrdreg $0x0  }
0xae: {  	s5 =	sshll.u32 s28, $0x1;
	[dreg:$0x2] =	wrdreg s3  }
0xaf: {  	[dreg:$0x3] =	wrdreg s5  }
0xb0: {  	[dreg:$0x4] =	wrdreg $0xC0  }
0xb1: {  	_ =	task [dreg:s7], $0x5FFFF  }
0xb2: {  	[dreg:$0x1] =	wrdreg $0xFFFFFFFF  }
0xb3: {  	[dreg:$0x0] =	wrdreg $0x60  }
0xb4: {  	[dreg:$0x2] =	wrdreg s16  }
0xb5: {  	[dreg:$0x3] =	wrdreg s24  }
0xb6: {  	[dreg:$0x4] =	wrdreg $0xA8000  }
0xb7: {  	[dreg:$0x5] =	wrdreg $0x9  }
0xb8: {  	_ =	task.clear_ibuf [dreg:s7], $0x6FFFF;
	_ =	strace $0x9000004C  }
0xb9: {  	s29 =	simm.s32 $0x9;
	_ =	strace $0x8000004E  }
0xba: {  	_ =	swait.ge [sflag:s29], $0x1  }
0xbb: {  	[sflag:s29] =	ssyncadd.s32 $0xFFFFFFFF  }
0xbc: {  	_ =	strace $0x9000004E  }
0xbd: {  	_ =	sfence  }
0xbe: {  	s30 =	sld [smem:$0x0];
	_ =	sdelay $0x2  }
0xbf: {  	s31 =	sshll.u32 s1, $0xD;
	s1 =	sshrl.u32 s1, $0x2  }
0xc0: {  	s3 =	sand.u32 $0x4000, s31;
	s1 =	sadd.s32 s1, s30  }
0xc1: {  	s0 =	sor.u32 s3, s0;
	s1 =	sshll.u32 s1, $0x11  }
0xc2: {  	s0 =	sor.u32 s1, s0  }
0xc3: {  	s0 =	sadd.s32 $0x8F2B, s0  }
0xc4: {  	[sflag:s0] =	ssyncadd.remote.s32 $0x1  }
0xc5: {  	_ =	sfence.sel $0xFFFF  }
0xc6: {  	[dreg:$0x0] =	wrdreg $0xFFFFFFFF;
	(pc) =	sbr.abs _section_cstart, $3  }
0xc7: {  	[dreg:$0x1] =	wrdreg $0xFFFFFFFF  }
0xc8: {  	_ =	task.clear_ibuf [dreg:s7], $0x2FFFF;
	_ =	strace $0x9FFFFFFF  }
0xc9: {  	(tm) =	ssettm $0x7FFFFFFF  }
tec
execute0_lowered:
.L_overlay_start_1:
0x0: {  	(tag) =	ssettag $0x1  }
0x1: {  	s1 =	rddreg [dreg:$0x0]  }
0x2: {  	s5 =	rddreg [dreg:$0x1]  }
0x3: {  	s2 =	rddreg [dreg:$0x2];
	s3 =	srdreg.scid  }
0x4: {  	s0 =	rddreg [dreg:$0x3];
	s11 =	stileid.u32  }
0x5: {  	s14 =	simm.s32 $0x9400;
	s15 =	simm.s32 $0x80;
	s16 =	simm.s32 $0x1  }
0x6: {  	s17 =	simm.s32 $0x4000;
	s18 =	simm.s32 $0x2;
	s19 =	simm.s32 $0x9380  }
0x7: {  	s20 =	simm.s32 $0xA700;
	s21 =	simm.s32 $0xA780;
	s22 =	simm.s32 $0x0  }
0x8: {  	s6 =	sand.u32 $0x1, s3;
	s3 =	simm.s32 $0x0;
	s8 =	sadd.s32 $0x83800, s5  }
0x9: {  	s10 =	sadd.s32 $0x3000, s5;
	p0 =	sne.s32 s11, $0x0;
	s4 =	sshll.u32 s6, $0x4  }
0xa: {  	[smem:$0x7FF] =	sst s3;
	s7 =	smul.u32 $0x27800, s6;
	s4 =	sor.u32 s11, s4  }
0xb: {  	s6 =	ssub.s32 $0x2, s6;
	_ =	strace $0x8000004D;
	s9 =	smul.u32 $0x2800, s4  }
0xc: {  	s30 =	sshrl.u32 s6, $0x1;
	s11 =	sshrl.u32 @!p0 s2, $0x3;
	s4 =	sadd.s32 $0xD000, s5  }
0xd: {  	s12 =	sadd.s32 s7, s5;
	s13 =	ssub.s32 s6, s30;
	s31 =	sshrl.u32 s9, $0x3  }
0xe: {  	s5 =	sadd.s32 s8, s31;
	s9 =	sadd.s32 $0x280, s31;
	s6 =	sadd.s32 s10, s31  }
0xf: {  	s7 =	sadd.s32 s8, s9;
	s8 =	sadd.s32 s10, s9;
	s9 =	sadd.s32 $0x34800, s12  }
0x10: {  	s10 =	smax.u32 s13, $0x1;
	s12 =	simm.s32 $0x8000;
	s13 =	simm.s32 $0x3  }
.LBB2_1:
0x11: {  	s23 =	simm.s32 @!p0 $0x1C03  }
0x12: {  	[spmem:s11], [sflag:s23] =	dma.local @!p0 [hbm:s4], $0x27800  }
0x13: {  	s23 =	simm.s32 @!p0 $0x3  }
0x14: {  	_ =	swait.ge @!p0 [sflag:s23], $0x27800  }
0x15: {  	[sflag:s23] =	ssyncset.done @!p0 $0x0  }
0x16: {  	[sflag:s23] =	ssyncadd.s32 @!p0 $0xFFFD8800  }
0x17: {  	[bflag:$0x0] =	sbarrier.arrive $0xFFFF  }
0x18: {  	[tilespmem:s12], [sflag:$0x3] =	stream.linear.gather [hbm4b:s5+s3], $0x1400, $0x38;
	[tilespmem:$0x1E400] =	vst v63  }
0x19: {  	_ =	swait.ge [sflag:s13], $0x1400  }
0x1a: {  	[sflag:s13] =	ssyncset.done $0x0  }
0x1b: {  	[sflag:s13] =	ssyncadd.s32 $0xFFFFEC00  }
0x1c: {  	[tilespmem:s14], [sflag:$0x3] =	stream.linear.gather [hbm4b:s6+s3], $0x1400, $0x38;
	[tilespmem:$0x1E400] =	vst v63  }
0x1d: {  	_ =	swait.ge [sflag:s13], $0x1400  }
0x1e: {  	[sflag:s13] =	ssyncset.done $0x0  }
0x1f: {  	[sflag:s13] =	ssyncadd.s32 $0xFFFFEC00  }
0x20: {  	[tilespmem:s3], [sflag:$0x1] =	stream.indirect.gather [hbm4b:s1+s15], $0x80, s12, s15, $0xb8;
	[tilespmem:$0x1E400] =	vst v63  }
0x21: {  	_ =	swait.ge [sflag:s16], $0x4000  }
0x22: {  	[sflag:s16] =	ssyncset.done $0x0  }
0x23: {  	s28 =	simm.s32 $0x8080;
	[sflag:s16] =	ssyncadd.s32 $0xFFFFC000  }
0x24: {  	[tilespmem:s17], [sflag:$0x2] =	stream.indirect.gather [hbm4b:s1+s15], $0x80, s28, s15, $0xb8;
	[tilespmem:$0x1E400] =	vst v63  }
0x25: {  	s29 =	simm.s32 $0x9400  }
0x26: {  	[spmem:s2] =	stream.indirect.scatter.add.f32 [tilespmem:s3], [sflag:$0x3], $0x80, s29, s15, $0xb8;
	[tilespmem:$0x1E400] =	vst v63  }
0x27: {  	_ =	swait.ge [sflag:s13], $0x4000  }
0x28: {  	[sflag:s13] =	ssyncset.done $0x0  }
0x29: {  	[sflag:s13] =	ssyncadd.s32 $0xFFFFC000  }
0x2a: {  	_ =	swait.ge [sflag:s18], $0x4000  }
0x2b: {  	[sflag:s18] =	ssyncset.done $0x0  }
0x2c: {  	s30 =	simm.s32 $0x8100;
	[sflag:s18] =	ssyncadd.s32 $0xFFFFC000  }
0x2d: {  	[tilespmem:s3], [sflag:$0x1] =	stream.indirect.gather [hbm4b:s1+s15], $0x80, s30, s15, $0xb8;
	[tilespmem:$0x1E400] =	vst v63  }
0x2e: {  	s31 =	simm.s32 $0x9480  }
0x2f: {  	[spmem:s2] =	stream.indirect.scatter.add.f32 [tilespmem:s17], [sflag:$0x3], $0x80, s31, s15, $0xb8;
	[tilespmem:$0x1E400] =	vst v63  }
0x30: {  	_ =	swait.ge [sflag:s13], $0x4000  }
0x31: {  	s23 =	simm.s32 $0x400;
	[sflag:s13] =	ssyncset.done $0x0  }
.LBB2_2:
0x32: {  	p1 =	sne.s32 s23, $0x4800  }
0x33: {  	[sflag:s13] =	ssyncadd.s32 $0xFFFFC000;
	s24 =	smov.u32 s23;
	s23 =	sadd.s32 $0x400, s23  }
0x34: {  	_ = 	snop  }
0x35: {  	_ =	swait.ge [sflag:s16], $0x4000  }
0x36: {  	s24 =	sshra.s32 s24, $0x2;
	[sflag:s16] =	ssyncset.done $0x0  }
0x37: {  	s25 =	sadd.s32 $0x8080, s24;
	[sflag:s16] =	ssyncadd.s32 $0xFFFFC000  }
0x38: {  	[tilespmem:s17], [sflag:$0x2] =	stream.indirect.gather [hbm4b:s1+s15], $0x80, s25, s15, $0xb8;
	[tilespmem:$0x1E400] =	vst v63  }
0x39: {  	s25 =	sadd.s32 $0x9400, s24  }
0x3a: {  	[spmem:s2] =	stream.indirect.scatter.add.f32 [tilespmem:s3], [sflag:$0x3], $0x80, s25, s15, $0xb8;
	[tilespmem:$0x1E400] =	vst v63  }
0x3b: {  	_ =	swait.ge [sflag:s13], $0x4000  }
0x3c: {  	[sflag:s13] =	ssyncset.done $0x0  }
0x3d: {  	[sflag:s13] =	ssyncadd.s32 $0xFFFFC000  }
0x3e: {  	_ =	swait.ge [sflag:s18], $0x4000  }
0x3f: {  	[sflag:s18] =	ssyncset.done $0x0  }
0x40: {  	s25 =	sadd.s32 $0x8100, s24;
	[sflag:s18] =	ssyncadd.s32 $0xFFFFC000  }
0x41: {  	[tilespmem:s3], [sflag:$0x1] =	stream.indirect.gather [hbm4b:s1+s15], $0x80, s25, s15, $0xb8;
	[tilespmem:$0x1E400] =	vst v63  }
.Ltmp0:
0x42: {  	_ = 	snop;
	(pc) =	sbr.rel @p1 .LBB2_2-.Ltmp0, $4  }
0x43: {  	s24 =	sadd.s32 $0x9480, s24  }
0x44: {  	[spmem:s2] =	stream.indirect.scatter.add.f32 [tilespmem:s17], [sflag:$0x3], $0x80, s24, s15, $0xb8;
	[tilespmem:$0x1E400] =	vst v63  }
0x45: {  	_ =	swait.ge [sflag:s13], $0x4000  }
0x46: {  	[sflag:s13] =	ssyncset.done $0x0  }
0x47: {  	[sflag:s13] =	ssyncadd.s32 $0xFFFFC000  }
0x48: {  	_ =	swait.ge [sflag:s16], $0x4000  }
0x49: {  	[sflag:s16] =	ssyncset.done $0x0  }
0x4a: {  	[sflag:s16] =	ssyncadd.s32 $0xFFFFC000  }
0x4b: {  	[tilespmem:s17], [sflag:$0x2] =	stream.indirect.gather [hbm4b:s1+s15], $0x80, s19, s15, $0xb8;
	[tilespmem:$0x1E400] =	vst v63  }
0x4c: {  	s23 =	simm.s32 $0x0  }
0x4d: {  	[spmem:s2] =	stream.indirect.scatter.add.f32 [tilespmem:s23], [sflag:$0x3], $0x80, s20, s15, $0xb8;
	[tilespmem:$0x1E400] =	vst v63  }
0x4e: {  	_ =	swait.ge [sflag:s13], $0x4000  }
0x4f: {  	[sflag:s13] =	ssyncset.done $0x0  }
0x50: {  	[sflag:s13] =	ssyncadd.s32 $0xFFFFC000  }
0x51: {  	_ =	swait.ge [sflag:s18], $0x4000  }
0x52: {  	[sflag:s18] =	ssyncset.done $0x0  }
0x53: {  	[sflag:s18] =	ssyncadd.s32 $0xFFFFC000  }
0x54: {  	[spmem:s2] =	stream.indirect.scatter.add.f32 [tilespmem:s17], [sflag:$0x3], $0x80, s21, s15, $0xb8;
	[tilespmem:$0x1E400] =	vst v63  }
0x55: {  	_ =	swait.ge [sflag:s13], $0x4000  }
0x56: {  	[sflag:s13] =	ssyncset.done $0x0  }
0x57: {  	[sflag:s13] =	ssyncadd.s32 $0xFFFFC000  }
0x58: {  	[tilespmem:s12], [sflag:$0x3] =	stream.linear.gather [hbm4b:s7+s23], $0x1400, $0x38;
	[tilespmem:$0x1E400] =	vst v63  }
0x59: {  	_ =	swait.ge [sflag:s13], $0x1400  }
0x5a: {  	[sflag:s13] =	ssyncset.done $0x0  }
0x5b: {  	[sflag:s13] =	ssyncadd.s32 $0xFFFFEC00  }
0x5c: {  	[tilespmem:s14], [sflag:$0x3] =	stream.linear.gather [hbm4b:s8+s23], $0x1400, $0x38;
	[tilespmem:$0x1E400] =	vst v63  }
0x5d: {  	_ =	swait.ge [sflag:s13], $0x1400  }
0x5e: {  	[sflag:s13] =	ssyncset.done $0x0  }
0x5f: {  	[sflag:s13] =	ssyncadd.s32 $0xFFFFEC00  }
0x60: {  	[tilespmem:s23], [sflag:$0x1] =	stream.indirect.gather [hbm4b:s1+s15], $0x80, s12, s15, $0xb8;
	[tilespmem:$0x1E400] =	vst v63  }
0x61: {  	_ =	swait.ge [sflag:s16], $0x4000  }
0x62: {  	[sflag:s16] =	ssyncset.done $0x0  }
0x63: {  	s28 =	simm.s32 $0x8080;
	[sflag:s16] =	ssyncadd.s32 $0xFFFFC000  }
0x64: {  	[tilespmem:s17], [sflag:$0x2] =	stream.indirect.gather [hbm4b:s1+s15], $0x80, s28, s15, $0xb8;
	[tilespmem:$0x1E400] =	vst v63  }
0x65: {  	s29 =	simm.s32 $0x9400  }
0x66: {  	[spmem:s2] =	stream.indirect.scatter.add.f32 [tilespmem:s3], [sflag:$0x3], $0x80, s29, s15, $0xb8;
	[tilespmem:$0x1E400] =	vst v63  }
0x67: {  	_ =	swait.ge [sflag:s13], $0x4000  }
0x68: {  	[sflag:s13] =	ssyncset.done $0x0  }
0x69: {  	[sflag:s13] =	ssyncadd.s32 $0xFFFFC000  }
0x6a: {  	_ =	swait.ge [sflag:s18], $0x4000  }
0x6b: {  	[sflag:s18] =	ssyncset.done $0x0  }
0x6c: {  	s30 =	simm.s32 $0x8100;
	[sflag:s18] =	ssyncadd.s32 $0xFFFFC000  }
0x6d: {  	[tilespmem:s3], [sflag:$0x1] =	stream.indirect.gather [hbm4b:s1+s15], $0x80, s30, s15, $0xb8;
	[tilespmem:$0x1E400] =	vst v63  }
0x6e: {  	s31 =	simm.s32 $0x9480  }
0x6f: {  	[spmem:s2] =	stream.indirect.scatter.add.f32 [tilespmem:s17], [sflag:$0x3], $0x80, s31, s15, $0xb8;
	[tilespmem:$0x1E400] =	vst v63  }
0x70: {  	_ =	swait.ge [sflag:s13], $0x4000  }
0x71: {  	s23 =	simm.s32 $0x400;
	[sflag:s13] =	ssyncset.done $0x0  }
.LBB2_4:
0x72: {  	p1 =	sne.s32 s23, $0x4800  }
0x73: {  	[sflag:s13] =	ssyncadd.s32 $0xFFFFC000;
	s24 =	smov.u32 s23;
	s23 =	sadd.s32 $0x400, s23  }
0x74: {  	_ = 	snop  }
0x75: {  	_ =	swait.ge [sflag:s16], $0x4000  }
0x76: {  	s24 =	sshra.s32 s24, $0x2;
	[sflag:s16] =	ssyncset.done $0x0  }
0x77: {  	s25 =	sadd.s32 $0x8080, s24;
	[sflag:s16] =	ssyncadd.s32 $0xFFFFC000  }
0x78: {  	[tilespmem:s17], [sflag:$0x2] =	stream.indirect.gather [hbm4b:s1+s15], $0x80, s25, s15, $0xb8;
	[tilespmem:$0x1E400] =	vst v63  }
0x79: {  	s25 =	sadd.s32 $0x9400, s24  }
0x7a: {  	[spmem:s2] =	stream.indirect.scatter.add.f32 [tilespmem:s3], [sflag:$0x3], $0x80, s25, s15, $0xb8;
	[tilespmem:$0x1E400] =	vst v63  }
0x7b: {  	_ =	swait.ge [sflag:s13], $0x4000  }
0x7c: {  	[sflag:s13] =	ssyncset.done $0x0  }
0x7d: {  	[sflag:s13] =	ssyncadd.s32 $0xFFFFC000  }
0x7e: {  	_ =	swait.ge [sflag:s18], $0x4000  }
0x7f: {  	[sflag:s18] =	ssyncset.done $0x0  }
0x80: {  	s25 =	sadd.s32 $0x8100, s24;
	[sflag:s18] =	ssyncadd.s32 $0xFFFFC000  }
0x81: {  	[tilespmem:s3], [sflag:$0x1] =	stream.indirect.gather [hbm4b:s1+s15], $0x80, s25, s15, $0xb8;
	[tilespmem:$0x1E400] =	vst v63  }
.Ltmp1:
0x82: {  	_ = 	snop;
	(pc) =	sbr.rel @p1 .LBB2_4-.Ltmp1, $4  }
0x83: {  	s24 =	sadd.s32 $0x9480, s24  }
0x84: {  	[spmem:s2] =	stream.indirect.scatter.add.f32 [tilespmem:s17], [sflag:$0x3], $0x80, s24, s15, $0xb8;
	[tilespmem:$0x1E400] =	vst v63  }
0x85: {  	_ =	swait.ge [sflag:s13], $0x4000  }
0x86: {  	[sflag:s13] =	ssyncset.done $0x0  }
0x87: {  	[sflag:s13] =	ssyncadd.s32 $0xFFFFC000  }
0x88: {  	_ =	swait.ge [sflag:s16], $0x4000  }
0x89: {  	[sflag:s16] =	ssyncset.done $0x0  }
0x8a: {  	[sflag:s16] =	ssyncadd.s32 $0xFFFFC000  }
0x8b: {  	[tilespmem:s17], [sflag:$0x2] =	stream.indirect.gather [hbm4b:s1+s15], $0x80, s19, s15, $0xb8;
	[tilespmem:$0x1E400] =	vst v63  }
0x8c: {  	_ = 	snop  }
0x8d: {  	[spmem:s2] =	stream.indirect.scatter.add.f32 [tilespmem:s3], [sflag:$0x3], $0x80, s20, s15, $0xb8;
	[tilespmem:$0x1E400] =	vst v63  }
0x8e: {  	_ =	swait.ge [sflag:s13], $0x4000  }
0x8f: {  	[sflag:s13] =	ssyncset.done $0x0  }
0x90: {  	[sflag:s13] =	ssyncadd.s32 $0xFFFFC000  }
0x91: {  	_ =	swait.ge [sflag:s18], $0x4000  }
0x92: {  	[sflag:s18] =	ssyncset.done $0x0  }
0x93: {  	[sflag:s18] =	ssyncadd.s32 $0xFFFFC000  }
0x94: {  	[spmem:s2] =	stream.indirect.scatter.add.f32 [tilespmem:s17], [sflag:$0x3], $0x80, s21, s15, $0xb8;
	[tilespmem:$0x1E400] =	vst v63  }
0x95: {  	_ =	swait.ge [sflag:s13], $0x4000  }
0x96: {  	[sflag:s13] =	ssyncset.done $0x0  }
0x97: {  	s22 =	sadd.s32 $0x1, s22;
	[sflag:s13] =	ssyncadd.s32 $0xFFFFC000  }
0x98: {  	s23 =	simm.s32 @!p0 $0x1C03;
	p1 =	sne.s32 s22, s10;
	[bflag:$0x0] =	sbarrier.arrive $0xFFFF  }
0x99: {  	[hbm:s9], [sflag:s23] =	dma.local @!p0 [spmem:s11], $0x27800  }
.Ltmp2:
0x9a: {  	_ = 	snop;
	(pc) =	sbr.rel @p1 .LBB2_1-.Ltmp2, $4  }
0x9b: {  	s23 =	simm.s32 @!p0 $0x3  }
0x9c: {  	_ =	swait.ge @!p0 [sflag:s23], $0x27800  }
0x9d: {  	[sflag:s23] =	ssyncset.done @!p0 $0x0  }
0x9e: {  	[sflag:s23] =	ssyncadd.s32 @!p0 $0xFFFD8800  }
0x9f: {  	_ =	sfence.sel $0x180000  }
0xa0: {  	[bflag:$0x0] =	sbarrier.arrive $0xFFFF  }
0xa1: {  	_ =	strace $0x9000004D  }
0xa2: {  	s0 =	sadd.s32 @!p0 $0x100000, s0;
	[bflag:$0x2] =	sbarrier.arrive $0xFFFF  }
0xa3: {  	[sflag:s0] =	ssyncadd.tile.s32 @!p0 $0x1;
	_ =	shalt  }
.Lfunc_end2:
_tile_overlayer_lowered:
.L_overlay_start_2:
0xa4: {  	(tag) =	ssettag $0x2  }
0xa5: {  	s0 =	rddreg [dreg:$0x0];
	s2 =	stileid.u32  }
0xa6: {  	s1 =	rddreg [dreg:$0x1];
	p0 =	sne.s32 s2, $0x0  }
0xa7: {  	s3 =	rddreg [dreg:$0x2];
	[bflag:$0x3] =	sbarrier.arrive $0xFFFF;
	s2 =	simm.s32 @!p0 $0x1C03  }
0xa8: {  	[timem:s3], [sflag:s2] =	dma.local @!p0 [hbm:s0], s1  }
0xa9: {  	s0 =	simm.s32 @!p0 $0x3  }
0xaa: {  	_ =	swait.ge @!p0 [sflag:s0], s1  }
0xab: {  	s1 =	ssub.s32 @!p0 $0x0, s1;
	[sflag:s0] =	ssyncset.done @!p0 $0x0  }
0xac: {  	[sflag:s0] =	ssyncadd.s32 @!p0 s1  }
0xad: {  	[bflag:$0x3] =	sbarrier.arrive $0xFFFF  }
0xae: {  	_ =	shalt  }

</sc_bundles>
